<compile_context>
chip_gen: v7x
topology: tpu7x:2x2x1
jax: 0.10.2.dev20260603
libtpu: 0.0.44.dev20260713+nightly
codegen_flags: <defaults>
</compile_context>

<pallas_src>
import functools

import jax
import jax.numpy as jnp
from jax import lax
from jax.experimental import pallas as pl
from jax.experimental.pallas import tpu as pltpu
from jax.experimental.pallas import tpu_sc as plsc

VOCAB = 100000
DIM = 32
BATCH = 1024
CTX = 50

NC = 2
NS = 16
NW = NC * NS
RW = BATCH // NW
IPW = RW * CTX
CHUNK = 128
NCHUNK = (IPW + CHUNK - 1) // CHUNK
IPW_PAD = NCHUNK * CHUNK
LANES = 16

_mesh = plsc.VectorSubcoreMesh(core_axis_name="c", subcore_axis_name="s")


@functools.partial(
    pl.kernel,
    out_type=jax.ShapeDtypeStruct((BATCH, DIM), jnp.float32),
    mesh=_mesh,
    scratch_types=[
        pltpu.VMEM((NCHUNK, CHUNK), jnp.int32),
        pltpu.VMEM((IPW_PAD, DIM), jnp.float32),
        pltpu.VMEM((RW, DIM), jnp.float32),
        pltpu.SemaphoreType.DMA,
    ],
    compiler_params=pltpu.CompilerParams(use_tc_tiling_on_sc=False),
)
def _gather_mean(ids_hbm, table_hbm, out_hbm, idx_v, rows_v, out_v, sem):
    wid = lax.axis_index("s") * NC + lax.axis_index("c")
    pltpu.sync_copy(ids_hbm.at[wid], idx_v)
    copies = []
    for j in range(NCHUNK):
        copies.append(
            pltpu.async_copy(
                table_hbm.at[idx_v.at[j]],
                rows_v.at[pl.ds(j * CHUNK, CHUNK)],
                sem,
            )
        )
    for c in copies:
        c.wait()

    scale = jnp.float32(1.0 / CTX)

    def per_row(b, carry):
        base = b * CTX
        p0 = [rows_v[base + c, pl.ds(0, LANES)] for c in range(4)]
        p1 = [rows_v[base + c, pl.ds(LANES, LANES)] for c in range(4)]
        for c in range(4, CTX):
            k = c % 4
            p0[k] = p0[k] + rows_v[base + c, pl.ds(0, LANES)]
            p1[k] = p1[k] + rows_v[base + c, pl.ds(LANES, LANES)]
        a0 = (p0[0] + p0[1]) + (p0[2] + p0[3])
        a1 = (p1[0] + p1[1]) + (p1[2] + p1[3])
        out_v[b, pl.ds(0, LANES)] = a0 * scale
        out_v[b, pl.ds(LANES, LANES)] = a1 * scale
        return carry

    lax.fori_loop(0, RW, per_row, 0)
    pltpu.sync_copy(out_v, out_hbm.at[pl.ds(wid * RW, RW)])


_BT = 32
_NBUF = 2
_NQ = 4
_QR = _BT // _NQ


def _proj_body(emb_ref, projt_ref, bias_ref, out_hbm, acc, sems):
    i = pl.program_id(0)
    n = pl.num_programs(0)
    slot = lax.rem(i, _NBUF)

    @pl.when(i >= _NBUF)
    def _():
        for q in range(_NQ):
            pltpu.make_async_copy(
                acc.at[slot, pl.ds(q * _QR, _QR), :],
                out_hbm.at[pl.ds((i - _NBUF) * _BT + q * _QR, _QR), :],
                sems.at[q, slot],
            ).wait()

    acc[slot] = (
        jnp.dot(emb_ref[...], projt_ref[...], preferred_element_type=jnp.float32)
        + bias_ref[...]
    ).astype(jnp.bfloat16)

    for q in range(_NQ):
        pltpu.make_async_copy(
            acc.at[slot, pl.ds(q * _QR, _QR), :],
            out_hbm.at[pl.ds(i * _BT + q * _QR, _QR), :],
            sems.at[q, slot],
        ).start()

    @pl.when(i == n - 1)
    def _():
        for j in range(n - _NBUF, n):
            for q in range(_NQ):
                pltpu.make_async_copy(
                    acc.at[j % _NBUF, pl.ds(q * _QR, _QR), :],
                    out_hbm.at[pl.ds(j * _BT + q * _QR, _QR), :],
                    sems.at[q, j % _NBUF],
                ).wait()


def _project(emb_mean, proj_t, bias2d):
    return pl.pallas_call(
        _proj_body,
        grid=(BATCH // _BT,),
        in_specs=[
            pl.BlockSpec((_BT, DIM), lambda v: (v, 0)),
            pl.BlockSpec((DIM, VOCAB), lambda v: (0, 0)),
            pl.BlockSpec((1, VOCAB), lambda v: (0, 0)),
        ],
        out_specs=pl.BlockSpec(memory_space=pl.ANY),
        out_shape=jax.ShapeDtypeStruct((BATCH, VOCAB), jnp.bfloat16),
        scratch_shapes=[
            pltpu.VMEM((_NBUF, _BT, VOCAB), jnp.bfloat16),
            pltpu.SemaphoreType.DMA((_NQ, _NBUF)),
        ],
    )(emb_mean, proj_t, bias2d)


def kernel(context_ids, embedding_weight, proj_weight, proj_bias):
    ids = context_ids.reshape(NW, IPW).astype(jnp.int32)
    ids = jnp.pad(ids, ((0, 0), (0, IPW_PAD - IPW)))
    ids = ids.reshape(NW, NCHUNK, CHUNK)
    ids, proj_w = lax.optimization_barrier((ids, proj_weight))
    emb_mean = _gather_mean(ids, embedding_weight)
    logits16 = _project(emb_mean, proj_w.T, proj_bias.reshape(1, VOCAB))
    return logits16.astype(jnp.float32)

# --- scband reference (transcript-rebuilt; emitter-appended) ---
"""Pipeline reference for scband-cbowtorch-90529320665440 (READ-ONLY COPY).

The authoritative reference and input builder live on the scoring server;
editing this copy changes nothing except your own understanding.
"""

import jax, jax.numpy as jnp
import numpy as np

VOCAB = 100000
DIM = 32
BATCH = 1024
CTX = 50

def setup_inputs(seed: int = 0) -> dict:
    key = jax.random.key(seed)
    k1, k2, k3 = jax.random.split(key, 3)
    context_ids = jax.random.randint(k1, (BATCH, CTX), 0, VOCAB)
    embedding_weight = jax.random.normal(k2, (VOCAB, DIM), dtype=jnp.float32) * 0.02
    proj_weight = jax.random.normal(k3, (VOCAB, DIM), dtype=jnp.float32) * 0.02
    proj_bias = jnp.zeros((VOCAB,), dtype=jnp.float32)
    return {
        "context_ids": context_ids,
        "embedding_weight": embedding_weight,
        "proj_weight": proj_weight,
        "proj_bias": proj_bias,
    }

def reference(context_ids, embedding_weight, proj_weight, proj_bias):
    # emb = self.embedding(context_ids)  -> gather rows of the table
    emb = jnp.take(embedding_weight, context_ids, axis=0)  # [B, CTX, DIM]
    # emb_mean = emb.mean(dim=1)
    emb_mean = emb.mean(axis=1)  # [B, DIM]
    # logits = self.proj(emb_mean)  (torch Linear: x @ W^T + b, W: [vocab, dim])
    logits = emb_mean @ proj_weight.T + proj_bias  # [B, VOCAB]
    return logits

if __name__ == "__main__":
    import jax
    _d = setup_inputs()
    print(jax.jit(kernel)(*tuple(_d.values())))

</pallas_src>

<mosaic_0001>
#map = affine_map<(d0, d1) -> (0, 0, 0)>
#map1 = affine_map<(d0, d1) -> (0, 0)>
module attributes {stable_mosaic.version = 14 : i64} {
  func.func @_gather_mean(%arg0: i32, %arg1: i32, %arg2: memref<32x13x128xi32, #tpu.memory_space<hbm>>, %arg3: memref<100000x32xf32, #tpu.memory_space<hbm>>, %arg4: memref<1024x32xf32, #tpu.memory_space<hbm>>, %arg5: memref<13x128xi32, #tpu.memory_space<vmem>>, %arg6: memref<1664x32xf32, #tpu.memory_space<vmem>>, %arg7: memref<32x32xf32, #tpu.memory_space<vmem>>, %arg8: memref<!tpu.dma_semaphore, #tpu.memory_space<semaphore_mem>>) attributes {dimension_semantics = [#tpu.dimension_semantics<core_parallel>, #tpu.dimension_semantics<subcore_parallel>], iteration_bounds = array<i64: 2, 16>, scalar_prefetch = 0 : i64, scratch_operands = 4 : i64, tpu.core_type = #tpu.core_type<sc_vector_subcore>, window_params = [{transform_indices = #map}, {transform_indices = #map1}, {transform_indices = #map1}]} {
    %mul3A = arith.constant 2 : i32
    %mul3A_0 = arith.muli %arg1, %mul3A : i32
    %add3A = arith.addi %mul3A_0, %arg0 : i32
    "tpu.region"() ({
      %run_scoped3A = tpu.sem_alloc : memref<!tpu.dma_semaphore, #tpu.memory_space<semaphore_mem>>
      %dma_start3A_267 = arith.constant 0 : i32
      %dma_start3A_268 = arith.constant 0 : i32
      %dma_start3A_269 = tpu.memref_slice %arg2[%add3A, %dma_start3A_267, %dma_start3A_268] : memref<32x13x128xi32, #tpu.memory_space<hbm>> -> memref<1x13x128xi32, #tpu.memory_space<hbm>>
      %dma_start3A_270 = tpu.memref_squeeze %dma_start3A_269 : memref<1x13x128xi32, #tpu.memory_space<hbm>> -> memref<13x128xi32, #tpu.memory_space<hbm>>
      %dma_start3A_271 = arith.constant 0 : i32
      %dma_start3A_272 = arith.constant 0 : i32
      %dma_start3A_273 = tpu.memref_slice %arg2[%add3A, %dma_start3A_271, %dma_start3A_272] : memref<32x13x128xi32, #tpu.memory_space<hbm>> -> memref<1x13x128xi32, #tpu.memory_space<hbm>>
      %dma_start3A_274 = tpu.memref_squeeze %dma_start3A_273 : memref<1x13x128xi32, #tpu.memory_space<hbm>> -> memref<13x128xi32, #tpu.memory_space<hbm>>
      tpu.enqueue_dma source(%dma_start3A_274 : memref<13x128xi32, #tpu.memory_space<hbm>>) target(%arg5 : memref<13x128xi32, #tpu.memory_space<vmem>>) target_semaphore(%run_scoped3A : memref<!tpu.dma_semaphore, #tpu.memory_space<semaphore_mem>>)
      %dma_wait3A_275 = arith.constant 0 : i32
      %dma_wait3A_276 = arith.constant 0 : i32
      %dma_wait3A_277 = tpu.memref_slice %arg2[%add3A, %dma_wait3A_275, %dma_wait3A_276] : memref<32x13x128xi32, #tpu.memory_space<hbm>> -> memref<1x13x128xi32, #tpu.memory_space<hbm>>
      %dma_wait3A_278 = tpu.memref_squeeze %dma_wait3A_277 : memref<1x13x128xi32, #tpu.memory_space<hbm>> -> memref<13x128xi32, #tpu.memory_space<hbm>>
      %dma_wait3A_279 = arith.constant 0 : i32
      %dma_wait3A_280 = arith.constant 0 : i32
      %dma_wait3A_281 = tpu.memref_slice %arg2[%add3A, %dma_wait3A_279, %dma_wait3A_280] : memref<32x13x128xi32, #tpu.memory_space<hbm>> -> memref<1x13x128xi32, #tpu.memory_space<hbm>>
      %dma_wait3A_282 = tpu.memref_squeeze %dma_wait3A_281 : memref<1x13x128xi32, #tpu.memory_space<hbm>> -> memref<13x128xi32, #tpu.memory_space<hbm>>
      tpu.wait_dma2 semaphore(%run_scoped3A : memref<!tpu.dma_semaphore, #tpu.memory_space<semaphore_mem>>) src(%dma_wait3A_282 : memref<13x128xi32, #tpu.memory_space<hbm>>) dst(%arg5 : memref<13x128xi32, #tpu.memory_space<vmem>>)
      tpu.yield
    }) : () -> ()
    %dma_start3A = arith.constant 0 : i32
    %dma_start3A_1 = arith.constant 0 : i32
    %dma_start3A_2 = arith.constant 0 : i32
    %dma_start3A_3 = tpu.memref_slice %arg6[%dma_start3A_1, %dma_start3A_2] : memref<1664x32xf32, #tpu.memory_space<vmem>> -> memref<128x32xf32, #tpu.memory_space<vmem>>
    %dma_start3A_4 = arith.constant 0 : i32
    %dma_start3A_5 = tpu.memref_slice %arg5[%dma_start3A, %dma_start3A_4] : memref<13x128xi32, #tpu.memory_space<vmem>> -> memref<1x128xi32, #tpu.memory_space<vmem>>
    %dma_start3A_6 = tpu.memref_squeeze %dma_start3A_5 : memref<1x128xi32, #tpu.memory_space<vmem>> -> memref<128xi32, #tpu.memory_space<vmem>>
    %dma_start3A_7 = arith.constant 0 : i32
    %dma_start3A_8 = arith.constant 0 : i32
    %dma_start3A_9 = tpu.memref_slice %arg3[%dma_start3A_7, %dma_start3A_8] : memref<100000x32xf32, #tpu.memory_space<hbm>> -> memref<100000x32xf32, #tpu.memory_space<hbm>>
    tpu.enqueue_indirect_dma source(%dma_start3A_9 : memref<100000x32xf32, #tpu.memory_space<hbm>>) target(%dma_start3A_3 : memref<128x32xf32, #tpu.memory_space<vmem>>) offsets(%dma_start3A_6 : memref<128xi32, #tpu.memory_space<vmem>>) semaphore(%arg8 : memref<!tpu.dma_semaphore, #tpu.memory_space<semaphore_mem>>)
    %dma_start3A_10 = arith.constant 1 : i32
    %dma_start3A_11 = arith.constant 128 : i32
    %dma_start3A_12 = arith.constant 0 : i32
    %dma_start3A_13 = tpu.memref_slice %arg6[%dma_start3A_11, %dma_start3A_12] : memref<1664x32xf32, #tpu.memory_space<vmem>> -> memref<128x32xf32, #tpu.memory_space<vmem>>
    %dma_start3A_14 = arith.constant 0 : i32
    %dma_start3A_15 = tpu.memref_slice %arg5[%dma_start3A_10, %dma_start3A_14] : memref<13x128xi32, #tpu.memory_space<vmem>> -> memref<1x128xi32, #tpu.memory_space<vmem>>
    %dma_start3A_16 = tpu.memref_squeeze %dma_start3A_15 : memref<1x128xi32, #tpu.memory_space<vmem>> -> memref<128xi32, #tpu.memory_space<vmem>>
    %dma_start3A_17 = arith.constant 0 : i32
    %dma_start3A_18 = arith.constant 0 : i32
    %dma_start3A_19 = tpu.memref_slice %arg3[%dma_start3A_17, %dma_start3A_18] : memref<100000x32xf32, #tpu.memory_space<hbm>> -> memref<100000x32xf32, #tpu.memory_space<hbm>>
    tpu.enqueue_indirect_dma source(%dma_start3A_19 : memref<100000x32xf32, #tpu.memory_space<hbm>>) target(%dma_start3A_13 : memref<128x32xf32, #tpu.memory_space<vmem>>) offsets(%dma_start3A_16 : memref<128xi32, #tpu.memory_space<vmem>>) semaphore(%arg8 : memref<!tpu.dma_semaphore, #tpu.memory_space<semaphore_mem>>)
    %dma_start3A_20 = arith.constant 2 : i32
    %dma_start3A_21 = arith.constant 256 : i32
    %dma_start3A_22 = arith.constant 0 : i32
    %dma_start3A_23 = tpu.memref_slice %arg6[%dma_start3A_21, %dma_start3A_22] : memref<1664x32xf32, #tpu.memory_space<vmem>> -> memref<128x32xf32, #tpu.memory_space<vmem>>
    %dma_start3A_24 = arith.constant 0 : i32
    %dma_start3A_25 = tpu.memref_slice %arg5[%dma_start3A_20, %dma_start3A_24] : memref<13x128xi32, #tpu.memory_space<vmem>> -> memref<1x128xi32, #tpu.memory_space<vmem>>
    %dma_start3A_26 = tpu.memref_squeeze %dma_start3A_25 : memref<1x128xi32, #tpu.memory_space<vmem>> -> memref<128xi32, #tpu.memory_space<vmem>>
    %dma_start3A_27 = arith.constant 0 : i32
    %dma_start3A_28 = arith.constant 0 : i32
    %dma_start3A_29 = tpu.memref_slice %arg3[%dma_start3A_27, %dma_start3A_28] : memref<100000x32xf32, #tpu.memory_space<hbm>> -> memref<100000x32xf32, #tpu.memory_space<hbm>>
    tpu.enqueue_indirect_dma source(%dma_start3A_29 : memref<100000x32xf32, #tpu.memory_space<hbm>>) target(%dma_start3A_23 : memref<128x32xf32, #tpu.memory_space<vmem>>) offsets(%dma_start3A_26 : memref<128xi32, #tpu.memory_space<vmem>>) semaphore(%arg8 : memref<!tpu.dma_semaphore, #tpu.memory_space<semaphore_mem>>)
    %dma_start3A_30 = arith.constant 3 : i32
    %dma_start3A_31 = arith.constant 384 : i32
    %dma_start3A_32 = arith.constant 0 : i32
    %dma_start3A_33 = tpu.memref_slice %arg6[%dma_start3A_31, %dma_start3A_32] : memref<1664x32xf32, #tpu.memory_space<vmem>> -> memref<128x32xf32, #tpu.memory_space<vmem>>
    %dma_start3A_34 = arith.constant 0 : i32
    %dma_start3A_35 = tpu.memref_slice %arg5[%dma_start3A_30, %dma_start3A_34] : memref<13x128xi32, #tpu.memory_space<vmem>> -> memref<1x128xi32, #tpu.memory_space<vmem>>
    %dma_start3A_36 = tpu.memref_squeeze %dma_start3A_35 : memref<1x128xi32, #tpu.memory_space<vmem>> -> memref<128xi32, #tpu.memory_space<vmem>>
    %dma_start3A_37 = arith.constant 0 : i32
    %dma_start3A_38 = arith.constant 0 : i32
    %dma_start3A_39 = tpu.memref_slice %arg3[%dma_start3A_37, %dma_start3A_38] : memref<100000x32xf32, #tpu.memory_space<hbm>> -> memref<100000x32xf32, #tpu.memory_space<hbm>>
    tpu.enqueue_indirect_dma source(%dma_start3A_39 : memref<100000x32xf32, #tpu.memory_space<hbm>>) target(%dma_start3A_33 : memref<128x32xf32, #tpu.memory_space<vmem>>) offsets(%dma_start3A_36 : memref<128xi32, #tpu.memory_space<vmem>>) semaphore(%arg8 : memref<!tpu.dma_semaphore, #tpu.memory_space<semaphore_mem>>)
    %dma_start3A_40 = arith.constant 4 : i32
    %dma_start3A_41 = arith.constant 512 : i32
    %dma_start3A_42 = arith.constant 0 : i32
    %dma_start3A_43 = tpu.memref_slice %arg6[%dma_start3A_41, %dma_start3A_42] : memref<1664x32xf32, #tpu.memory_space<vmem>> -> memref<128x32xf32, #tpu.memory_space<vmem>>
    %dma_start3A_44 = arith.constant 0 : i32
    %dma_start3A_45 = tpu.memref_slice %arg5[%dma_start3A_40, %dma_start3A_44] : memref<13x128xi32, #tpu.memory_space<vmem>> -> memref<1x128xi32, #tpu.memory_space<vmem>>
    %dma_start3A_46 = tpu.memref_squeeze %dma_start3A_45 : memref<1x128xi32, #tpu.memory_space<vmem>> -> memref<128xi32, #tpu.memory_space<vmem>>
    %dma_start3A_47 = arith.constant 0 : i32
    %dma_start3A_48 = arith.constant 0 : i32
    %dma_start3A_49 = tpu.memref_slice %arg3[%dma_start3A_47, %dma_start3A_48] : memref<100000x32xf32, #tpu.memory_space<hbm>> -> memref<100000x32xf32, #tpu.memory_space<hbm>>
    tpu.enqueue_indirect_dma source(%dma_start3A_49 : memref<100000x32xf32, #tpu.memory_space<hbm>>) target(%dma_start3A_43 : memref<128x32xf32, #tpu.memory_space<vmem>>) offsets(%dma_start3A_46 : memref<128xi32, #tpu.memory_space<vmem>>) semaphore(%arg8 : memref<!tpu.dma_semaphore, #tpu.memory_space<semaphore_mem>>)
    %dma_start3A_50 = arith.constant 5 : i32
    %dma_start3A_51 = arith.constant 640 : i32
    %dma_start3A_52 = arith.constant 0 : i32
    %dma_start3A_53 = tpu.memref_slice %arg6[%dma_start3A_51, %dma_start3A_52] : memref<1664x32xf32, #tpu.memory_space<vmem>> -> memref<128x32xf32, #tpu.memory_space<vmem>>
    %dma_start3A_54 = arith.constant 0 : i32
    %dma_start3A_55 = tpu.memref_slice %arg5[%dma_start3A_50, %dma_start3A_54] : memref<13x128xi32, #tpu.memory_space<vmem>> -> memref<1x128xi32, #tpu.memory_space<vmem>>
    %dma_start3A_56 = tpu.memref_squeeze %dma_start3A_55 : memref<1x128xi32, #tpu.memory_space<vmem>> -> memref<128xi32, #tpu.memory_space<vmem>>
    %dma_start3A_57 = arith.constant 0 : i32
    %dma_start3A_58 = arith.constant 0 : i32
    %dma_start3A_59 = tpu.memref_slice %arg3[%dma_start3A_57, %dma_start3A_58] : memref<100000x32xf32, #tpu.memory_space<hbm>> -> memref<100000x32xf32, #tpu.memory_space<hbm>>
    tpu.enqueue_indirect_dma source(%dma_start3A_59 : memref<100000x32xf32, #tpu.memory_space<hbm>>) target(%dma_start3A_53 : memref<128x32xf32, #tpu.memory_space<vmem>>) offsets(%dma_start3A_56 : memref<128xi32, #tpu.memory_space<vmem>>) semaphore(%arg8 : memref<!tpu.dma_semaphore, #tpu.memory_space<semaphore_mem>>)
    %dma_start3A_60 = arith.constant 6 : i32
    %dma_start3A_61 = arith.constant 768 : i32
    %dma_start3A_62 = arith.constant 0 : i32
    %dma_start3A_63 = tpu.memref_slice %arg6[%dma_start3A_61, %dma_start3A_62] : memref<1664x32xf32, #tpu.memory_space<vmem>> -> memref<128x32xf32, #tpu.memory_space<vmem>>
    %dma_start3A_64 = arith.constant 0 : i32
    %dma_start3A_65 = tpu.memref_slice %arg5[%dma_start3A_60, %dma_start3A_64] : memref<13x128xi32, #tpu.memory_space<vmem>> -> memref<1x128xi32, #tpu.memory_space<vmem>>
    %dma_start3A_66 = tpu.memref_squeeze %dma_start3A_65 : memref<1x128xi32, #tpu.memory_space<vmem>> -> memref<128xi32, #tpu.memory_space<vmem>>
    %dma_start3A_67 = arith.constant 0 : i32
    %dma_start3A_68 = arith.constant 0 : i32
    %dma_start3A_69 = tpu.memref_slice %arg3[%dma_start3A_67, %dma_start3A_68] : memref<100000x32xf32, #tpu.memory_space<hbm>> -> memref<100000x32xf32, #tpu.memory_space<hbm>>
    tpu.enqueue_indirect_dma source(%dma_start3A_69 : memref<100000x32xf32, #tpu.memory_space<hbm>>) target(%dma_start3A_63 : memref<128x32xf32, #tpu.memory_space<vmem>>) offsets(%dma_start3A_66 : memref<128xi32, #tpu.memory_space<vmem>>) semaphore(%arg8 : memref<!tpu.dma_semaphore, #tpu.memory_space<semaphore_mem>>)
    %dma_start3A_70 = arith.constant 7 : i32
    %dma_start3A_71 = arith.constant 896 : i32
    %dma_start3A_72 = arith.constant 0 : i32
    %dma_start3A_73 = tpu.memref_slice %arg6[%dma_start3A_71, %dma_start3A_72] : memref<1664x32xf32, #tpu.memory_space<vmem>> -> memref<128x32xf32, #tpu.memory_space<vmem>>
    %dma_start3A_74 = arith.constant 0 : i32
    %dma_start3A_75 = tpu.memref_slice %arg5[%dma_start3A_70, %dma_start3A_74] : memref<13x128xi32, #tpu.memory_space<vmem>> -> memref<1x128xi32, #tpu.memory_space<vmem>>
    %dma_start3A_76 = tpu.memref_squeeze %dma_start3A_75 : memref<1x128xi32, #tpu.memory_space<vmem>> -> memref<128xi32, #tpu.memory_space<vmem>>
    %dma_start3A_77 = arith.constant 0 : i32
    %dma_start3A_78 = arith.constant 0 : i32
    %dma_start3A_79 = tpu.memref_slice %arg3[%dma_start3A_77, %dma_start3A_78] : memref<100000x32xf32, #tpu.memory_space<hbm>> -> memref<100000x32xf32, #tpu.memory_space<hbm>>
    tpu.enqueue_indirect_dma source(%dma_start3A_79 : memref<100000x32xf32, #tpu.memory_space<hbm>>) target(%dma_start3A_73 : memref<128x32xf32, #tpu.memory_space<vmem>>) offsets(%dma_start3A_76 : memref<128xi32, #tpu.memory_space<vmem>>) semaphore(%arg8 : memref<!tpu.dma_semaphore, #tpu.memory_space<semaphore_mem>>)
    %dma_start3A_80 = arith.constant 8 : i32
    %dma_start3A_81 = arith.constant 1024 : i32
    %dma_start3A_82 = arith.constant 0 : i32
    %dma_start3A_83 = tpu.memref_slice %arg6[%dma_start3A_81, %dma_start3A_82] : memref<1664x32xf32, #tpu.memory_space<vmem>> -> memref<128x32xf32, #tpu.memory_space<vmem>>
    %dma_start3A_84 = arith.constant 0 : i32
    %dma_start3A_85 = tpu.memref_slice %arg5[%dma_start3A_80, %dma_start3A_84] : memref<13x128xi32, #tpu.memory_space<vmem>> -> memref<1x128xi32, #tpu.memory_space<vmem>>
    %dma_start3A_86 = tpu.memref_squeeze %dma_start3A_85 : memref<1x128xi32, #tpu.memory_space<vmem>> -> memref<128xi32, #tpu.memory_space<vmem>>
    %dma_start3A_87 = arith.constant 0 : i32
    %dma_start3A_88 = arith.constant 0 : i32
    %dma_start3A_89 = tpu.memref_slice %arg3[%dma_start3A_87, %dma_start3A_88] : memref<100000x32xf32, #tpu.memory_space<hbm>> -> memref<100000x32xf32, #tpu.memory_space<hbm>>
    tpu.enqueue_indirect_dma source(%dma_start3A_89 : memref<100000x32xf32, #tpu.memory_space<hbm>>) target(%dma_start3A_83 : memref<128x32xf32, #tpu.memory_space<vmem>>) offsets(%dma_start3A_86 : memref<128xi32, #tpu.memory_space<vmem>>) semaphore(%arg8 : memref<!tpu.dma_semaphore, #tpu.memory_space<semaphore_mem>>)
    %dma_start3A_90 = arith.constant 9 : i32
    %dma_start3A_91 = arith.constant 1152 : i32
    %dma_start3A_92 = arith.constant 0 : i32
    %dma_start3A_93 = tpu.memref_slice %arg6[%dma_start3A_91, %dma_start3A_92] : memref<1664x32xf32, #tpu.memory_space<vmem>> -> memref<128x32xf32, #tpu.memory_space<vmem>>
    %dma_start3A_94 = arith.constant 0 : i32
    %dma_start3A_95 = tpu.memref_slice %arg5[%dma_start3A_90, %dma_start3A_94] : memref<13x128xi32, #tpu.memory_space<vmem>> -> memref<1x128xi32, #tpu.memory_space<vmem>>
    %dma_start3A_96 = tpu.memref_squeeze %dma_start3A_95 : memref<1x128xi32, #tpu.memory_space<vmem>> -> memref<128xi32, #tpu.memory_space<vmem>>
    %dma_start3A_97 = arith.constant 0 : i32
    %dma_start3A_98 = arith.constant 0 : i32
    %dma_start3A_99 = tpu.memref_slice %arg3[%dma_start3A_97, %dma_start3A_98] : memref<100000x32xf32, #tpu.memory_space<hbm>> -> memref<100000x32xf32, #tpu.memory_space<hbm>>
    tpu.enqueue_indirect_dma source(%dma_start3A_99 : memref<100000x32xf32, #tpu.memory_space<hbm>>) target(%dma_start3A_93 : memref<128x32xf32, #tpu.memory_space<vmem>>) offsets(%dma_start3A_96 : memref<128xi32, #tpu.memory_space<vmem>>) semaphore(%arg8 : memref<!tpu.dma_semaphore, #tpu.memory_space<semaphore_mem>>)
    %dma_start3A_100 = arith.constant 10 : i32
    %dma_start3A_101 = arith.constant 1280 : i32
    %dma_start3A_102 = arith.constant 0 : i32
    %dma_start3A_103 = tpu.memref_slice %arg6[%dma_start3A_101, %dma_start3A_102] : memref<1664x32xf32, #tpu.memory_space<vmem>> -> memref<128x32xf32, #tpu.memory_space<vmem>>
    %dma_start3A_104 = arith.constant 0 : i32
    %dma_start3A_105 = tpu.memref_slice %arg5[%dma_start3A_100, %dma_start3A_104] : memref<13x128xi32, #tpu.memory_space<vmem>> -> memref<1x128xi32, #tpu.memory_space<vmem>>
    %dma_start3A_106 = tpu.memref_squeeze %dma_start3A_105 : memref<1x128xi32, #tpu.memory_space<vmem>> -> memref<128xi32, #tpu.memory_space<vmem>>
    %dma_start3A_107 = arith.constant 0 : i32
    %dma_start3A_108 = arith.constant 0 : i32
    %dma_start3A_109 = tpu.memref_slice %arg3[%dma_start3A_107, %dma_start3A_108] : memref<100000x32xf32, #tpu.memory_space<hbm>> -> memref<100000x32xf32, #tpu.memory_space<hbm>>
    tpu.enqueue_indirect_dma source(%dma_start3A_109 : memref<100000x32xf32, #tpu.memory_space<hbm>>) target(%dma_start3A_103 : memref<128x32xf32, #tpu.memory_space<vmem>>) offsets(%dma_start3A_106 : memref<128xi32, #tpu.memory_space<vmem>>) semaphore(%arg8 : memref<!tpu.dma_semaphore, #tpu.memory_space<semaphore_mem>>)
    %dma_start3A_110 = arith.constant 11 : i32
    %dma_start3A_111 = arith.constant 1408 : i32
    %dma_start3A_112 = arith.constant 0 : i32
    %dma_start3A_113 = tpu.memref_slice %arg6[%dma_start3A_111, %dma_start3A_112] : memref<1664x32xf32, #tpu.memory_space<vmem>> -> memref<128x32xf32, #tpu.memory_space<vmem>>
    %dma_start3A_114 = arith.constant 0 : i32
    %dma_start3A_115 = tpu.memref_slice %arg5[%dma_start3A_110, %dma_start3A_114] : memref<13x128xi32, #tpu.memory_space<vmem>> -> memref<1x128xi32, #tpu.memory_space<vmem>>
    %dma_start3A_116 = tpu.memref_squeeze %dma_start3A_115 : memref<1x128xi32, #tpu.memory_space<vmem>> -> memref<128xi32, #tpu.memory_space<vmem>>
    %dma_start3A_117 = arith.constant 0 : i32
    %dma_start3A_118 = arith.constant 0 : i32
    %dma_start3A_119 = tpu.memref_slice %arg3[%dma_start3A_117, %dma_start3A_118] : memref<100000x32xf32, #tpu.memory_space<hbm>> -> memref<100000x32xf32, #tpu.memory_space<hbm>>
    tpu.enqueue_indirect_dma source(%dma_start3A_119 : memref<100000x32xf32, #tpu.memory_space<hbm>>) target(%dma_start3A_113 : memref<128x32xf32, #tpu.memory_space<vmem>>) offsets(%dma_start3A_116 : memref<128xi32, #tpu.memory_space<vmem>>) semaphore(%arg8 : memref<!tpu.dma_semaphore, #tpu.memory_space<semaphore_mem>>)
    %dma_start3A_120 = arith.constant 12 : i32
    %dma_start3A_121 = arith.constant 1536 : i32
    %dma_start3A_122 = arith.constant 0 : i32
    %dma_start3A_123 = tpu.memref_slice %arg6[%dma_start3A_121, %dma_start3A_122] : memref<1664x32xf32, #tpu.memory_space<vmem>> -> memref<128x32xf32, #tpu.memory_space<vmem>>
    %dma_start3A_124 = arith.constant 0 : i32
    %dma_start3A_125 = tpu.memref_slice %arg5[%dma_start3A_120, %dma_start3A_124] : memref<13x128xi32, #tpu.memory_space<vmem>> -> memref<1x128xi32, #tpu.memory_space<vmem>>
    %dma_start3A_126 = tpu.memref_squeeze %dma_start3A_125 : memref<1x128xi32, #tpu.memory_space<vmem>> -> memref<128xi32, #tpu.memory_space<vmem>>
    %dma_start3A_127 = arith.constant 0 : i32
    %dma_start3A_128 = arith.constant 0 : i32
    %dma_start3A_129 = tpu.memref_slice %arg3[%dma_start3A_127, %dma_start3A_128] : memref<100000x32xf32, #tpu.memory_space<hbm>> -> memref<100000x32xf32, #tpu.memory_space<hbm>>
    tpu.enqueue_indirect_dma source(%dma_start3A_129 : memref<100000x32xf32, #tpu.memory_space<hbm>>) target(%dma_start3A_123 : memref<128x32xf32, #tpu.memory_space<vmem>>) offsets(%dma_start3A_126 : memref<128xi32, #tpu.memory_space<vmem>>) semaphore(%arg8 : memref<!tpu.dma_semaphore, #tpu.memory_space<semaphore_mem>>)
    %dma_wait3A = arith.constant 0 : i32
    %dma_wait3A_130 = arith.constant 0 : i32
    %dma_wait3A_131 = arith.constant 0 : i32
    %dma_wait3A_132 = tpu.memref_slice %arg6[%dma_wait3A_130, %dma_wait3A_131] : memref<1664x32xf32, #tpu.memory_space<vmem>> -> memref<128x32xf32, #tpu.memory_space<vmem>>
    %dma_wait3A_133 = arith.constant 0 : i32
    %dma_wait3A_134 = tpu.memref_slice %arg5[%dma_wait3A, %dma_wait3A_133] : memref<13x128xi32, #tpu.memory_space<vmem>> -> memref<1x128xi32, #tpu.memory_space<vmem>>
    %dma_wait3A_135 = tpu.memref_squeeze %dma_wait3A_134 : memref<1x128xi32, #tpu.memory_space<vmem>> -> memref<128xi32, #tpu.memory_space<vmem>>
    %dma_wait3A_136 = arith.constant 0 : i32
    %dma_wait3A_137 = arith.constant 0 : i32
    %dma_wait3A_138 = tpu.memref_slice %arg3[%dma_wait3A_136, %dma_wait3A_137] : memref<100000x32xf32, #tpu.memory_space<hbm>> -> memref<100000x32xf32, #tpu.memory_space<hbm>>
    tpu.wait_indirect_dma semaphore(%arg8 : memref<!tpu.dma_semaphore, #tpu.memory_space<semaphore_mem>>) src(%dma_wait3A_138 : memref<100000x32xf32, #tpu.memory_space<hbm>>) dst(%dma_wait3A_132 : memref<128x32xf32, #tpu.memory_space<vmem>>)
    %dma_wait3A_139 = arith.constant 1 : i32
    %dma_wait3A_140 = arith.constant 128 : i32
    %dma_wait3A_141 = arith.constant 0 : i32
    %dma_wait3A_142 = tpu.memref_slice %arg6[%dma_wait3A_140, %dma_wait3A_141] : memref<1664x32xf32, #tpu.memory_space<vmem>> -> memref<128x32xf32, #tpu.memory_space<vmem>>
    %dma_wait3A_143 = arith.constant 0 : i32
    %dma_wait3A_144 = tpu.memref_slice %arg5[%dma_wait3A_139, %dma_wait3A_143] : memref<13x128xi32, #tpu.memory_space<vmem>> -> memref<1x128xi32, #tpu.memory_space<vmem>>
    %dma_wait3A_145 = tpu.memref_squeeze %dma_wait3A_144 : memref<1x128xi32, #tpu.memory_space<vmem>> -> memref<128xi32, #tpu.memory_space<vmem>>
    %dma_wait3A_146 = arith.constant 0 : i32
    %dma_wait3A_147 = arith.constant 0 : i32
    %dma_wait3A_148 = tpu.memref_slice %arg3[%dma_wait3A_146, %dma_wait3A_147] : memref<100000x32xf32, #tpu.memory_space<hbm>> -> memref<100000x32xf32, #tpu.memory_space<hbm>>
    tpu.wait_indirect_dma semaphore(%arg8 : memref<!tpu.dma_semaphore, #tpu.memory_space<semaphore_mem>>) src(%dma_wait3A_148 : memref<100000x32xf32, #tpu.memory_space<hbm>>) dst(%dma_wait3A_142 : memref<128x32xf32, #tpu.memory_space<vmem>>)
    %dma_wait3A_149 = arith.constant 2 : i32
    %dma_wait3A_150 = arith.constant 256 : i32
    %dma_wait3A_151 = arith.constant 0 : i32
    %dma_wait3A_152 = tpu.memref_slice %arg6[%dma_wait3A_150, %dma_wait3A_151] : memref<1664x32xf32, #tpu.memory_space<vmem>> -> memref<128x32xf32, #tpu.memory_space<vmem>>
    %dma_wait3A_153 = arith.constant 0 : i32
    %dma_wait3A_154 = tpu.memref_slice %arg5[%dma_wait3A_149, %dma_wait3A_153] : memref<13x128xi32, #tpu.memory_space<vmem>> -> memref<1x128xi32, #tpu.memory_space<vmem>>
    %dma_wait3A_155 = tpu.memref_squeeze %dma_wait3A_154 : memref<1x128xi32, #tpu.memory_space<vmem>> -> memref<128xi32, #tpu.memory_space<vmem>>
    %dma_wait3A_156 = arith.constant 0 : i32
    %dma_wait3A_157 = arith.constant 0 : i32
    %dma_wait3A_158 = tpu.memref_slice %arg3[%dma_wait3A_156, %dma_wait3A_157] : memref<100000x32xf32, #tpu.memory_space<hbm>> -> memref<100000x32xf32, #tpu.memory_space<hbm>>
    tpu.wait_indirect_dma semaphore(%arg8 : memref<!tpu.dma_semaphore, #tpu.memory_space<semaphore_mem>>) src(%dma_wait3A_158 : memref<100000x32xf32, #tpu.memory_space<hbm>>) dst(%dma_wait3A_152 : memref<128x32xf32, #tpu.memory_space<vmem>>)
    %dma_wait3A_159 = arith.constant 3 : i32
    %dma_wait3A_160 = arith.constant 384 : i32
    %dma_wait3A_161 = arith.constant 0 : i32
    %dma_wait3A_162 = tpu.memref_slice %arg6[%dma_wait3A_160, %dma_wait3A_161] : memref<1664x32xf32, #tpu.memory_space<vmem>> -> memref<128x32xf32, #tpu.memory_space<vmem>>
    %dma_wait3A_163 = arith.constant 0 : i32
    %dma_wait3A_164 = tpu.memref_slice %arg5[%dma_wait3A_159, %dma_wait3A_163] : memref<13x128xi32, #tpu.memory_space<vmem>> -> memref<1x128xi32, #tpu.memory_space<vmem>>
    %dma_wait3A_165 = tpu.memref_squeeze %dma_wait3A_164 : memref<1x128xi32, #tpu.memory_space<vmem>> -> memref<128xi32, #tpu.memory_space<vmem>>
    %dma_wait3A_166 = arith.constant 0 : i32
    %dma_wait3A_167 = arith.constant 0 : i32
    %dma_wait3A_168 = tpu.memref_slice %arg3[%dma_wait3A_166, %dma_wait3A_167] : memref<100000x32xf32, #tpu.memory_space<hbm>> -> memref<100000x32xf32, #tpu.memory_space<hbm>>
    tpu.wait_indirect_dma semaphore(%arg8 : memref<!tpu.dma_semaphore, #tpu.memory_space<semaphore_mem>>) src(%dma_wait3A_168 : memref<100000x32xf32, #tpu.memory_space<hbm>>) dst(%dma_wait3A_162 : memref<128x32xf32, #tpu.memory_space<vmem>>)
    %dma_wait3A_169 = arith.constant 4 : i32
    %dma_wait3A_170 = arith.constant 512 : i32
    %dma_wait3A_171 = arith.constant 0 : i32
    %dma_wait3A_172 = tpu.memref_slice %arg6[%dma_wait3A_170, %dma_wait3A_171] : memref<1664x32xf32, #tpu.memory_space<vmem>> -> memref<128x32xf32, #tpu.memory_space<vmem>>
    %dma_wait3A_173 = arith.constant 0 : i32
    %dma_wait3A_174 = tpu.memref_slice %arg5[%dma_wait3A_169, %dma_wait3A_173] : memref<13x128xi32, #tpu.memory_space<vmem>> -> memref<1x128xi32, #tpu.memory_space<vmem>>
    %dma_wait3A_175 = tpu.memref_squeeze %dma_wait3A_174 : memref<1x128xi32, #tpu.memory_space<vmem>> -> memref<128xi32, #tpu.memory_space<vmem>>
    %dma_wait3A_176 = arith.constant 0 : i32
    %dma_wait3A_177 = arith.constant 0 : i32
    %dma_wait3A_178 = tpu.memref_slice %arg3[%dma_wait3A_176, %dma_wait3A_177] : memref<100000x32xf32, #tpu.memory_space<hbm>> -> memref<100000x32xf32, #tpu.memory_space<hbm>>
    tpu.wait_indirect_dma semaphore(%arg8 : memref<!tpu.dma_semaphore, #tpu.memory_space<semaphore_mem>>) src(%dma_wait3A_178 : memref<100000x32xf32, #tpu.memory_space<hbm>>) dst(%dma_wait3A_172 : memref<128x32xf32, #tpu.memory_space<vmem>>)
    %dma_wait3A_179 = arith.constant 5 : i32
    %dma_wait3A_180 = arith.constant 640 : i32
    %dma_wait3A_181 = arith.constant 0 : i32
    %dma_wait3A_182 = tpu.memref_slice %arg6[%dma_wait3A_180, %dma_wait3A_181] : memref<1664x32xf32, #tpu.memory_space<vmem>> -> memref<128x32xf32, #tpu.memory_space<vmem>>
    %dma_wait3A_183 = arith.constant 0 : i32
    %dma_wait3A_184 = tpu.memref_slice %arg5[%dma_wait3A_179, %dma_wait3A_183] : memref<13x128xi32, #tpu.memory_space<vmem>> -> memref<1x128xi32, #tpu.memory_space<vmem>>
    %dma_wait3A_185 = tpu.memref_squeeze %dma_wait3A_184 : memref<1x128xi32, #tpu.memory_space<vmem>> -> memref<128xi32, #tpu.memory_space<vmem>>
    %dma_wait3A_186 = arith.constant 0 : i32
    %dma_wait3A_187 = arith.constant 0 : i32
    %dma_wait3A_188 = tpu.memref_slice %arg3[%dma_wait3A_186, %dma_wait3A_187] : memref<100000x32xf32, #tpu.memory_space<hbm>> -> memref<100000x32xf32, #tpu.memory_space<hbm>>
    tpu.wait_indirect_dma semaphore(%arg8 : memref<!tpu.dma_semaphore, #tpu.memory_space<semaphore_mem>>) src(%dma_wait3A_188 : memref<100000x32xf32, #tpu.memory_space<hbm>>) dst(%dma_wait3A_182 : memref<128x32xf32, #tpu.memory_space<vmem>>)
    %dma_wait3A_189 = arith.constant 6 : i32
    %dma_wait3A_190 = arith.constant 768 : i32
    %dma_wait3A_191 = arith.constant 0 : i32
    %dma_wait3A_192 = tpu.memref_slice %arg6[%dma_wait3A_190, %dma_wait3A_191] : memref<1664x32xf32, #tpu.memory_space<vmem>> -> memref<128x32xf32, #tpu.memory_space<vmem>>
    %dma_wait3A_193 = arith.constant 0 : i32
    %dma_wait3A_194 = tpu.memref_slice %arg5[%dma_wait3A_189, %dma_wait3A_193] : memref<13x128xi32, #tpu.memory_space<vmem>> -> memref<1x128xi32, #tpu.memory_space<vmem>>
    %dma_wait3A_195 = tpu.memref_squeeze %dma_wait3A_194 : memref<1x128xi32, #tpu.memory_space<vmem>> -> memref<128xi32, #tpu.memory_space<vmem>>
    %dma_wait3A_196 = arith.constant 0 : i32
    %dma_wait3A_197 = arith.constant 0 : i32
    %dma_wait3A_198 = tpu.memref_slice %arg3[%dma_wait3A_196, %dma_wait3A_197] : memref<100000x32xf32, #tpu.memory_space<hbm>> -> memref<100000x32xf32, #tpu.memory_space<hbm>>
    tpu.wait_indirect_dma semaphore(%arg8 : memref<!tpu.dma_semaphore, #tpu.memory_space<semaphore_mem>>) src(%dma_wait3A_198 : memref<100000x32xf32, #tpu.memory_space<hbm>>) dst(%dma_wait3A_192 : memref<128x32xf32, #tpu.memory_space<vmem>>)
    %dma_wait3A_199 = arith.constant 7 : i32
    %dma_wait3A_200 = arith.constant 896 : i32
    %dma_wait3A_201 = arith.constant 0 : i32
    %dma_wait3A_202 = tpu.memref_slice %arg6[%dma_wait3A_200, %dma_wait3A_201] : memref<1664x32xf32, #tpu.memory_space<vmem>> -> memref<128x32xf32, #tpu.memory_space<vmem>>
    %dma_wait3A_203 = arith.constant 0 : i32
    %dma_wait3A_204 = tpu.memref_slice %arg5[%dma_wait3A_199, %dma_wait3A_203] : memref<13x128xi32, #tpu.memory_space<vmem>> -> memref<1x128xi32, #tpu.memory_space<vmem>>
    %dma_wait3A_205 = tpu.memref_squeeze %dma_wait3A_204 : memref<1x128xi32, #tpu.memory_space<vmem>> -> memref<128xi32, #tpu.memory_space<vmem>>
    %dma_wait3A_206 = arith.constant 0 : i32
    %dma_wait3A_207 = arith.constant 0 : i32
    %dma_wait3A_208 = tpu.memref_slice %arg3[%dma_wait3A_206, %dma_wait3A_207] : memref<100000x32xf32, #tpu.memory_space<hbm>> -> memref<100000x32xf32, #tpu.memory_space<hbm>>
    tpu.wait_indirect_dma semaphore(%arg8 : memref<!tpu.dma_semaphore, #tpu.memory_space<semaphore_mem>>) src(%dma_wait3A_208 : memref<100000x32xf32, #tpu.memory_space<hbm>>) dst(%dma_wait3A_202 : memref<128x32xf32, #tpu.memory_space<vmem>>)
    %dma_wait3A_209 = arith.constant 8 : i32
    %dma_wait3A_210 = arith.constant 1024 : i32
    %dma_wait3A_211 = arith.constant 0 : i32
    %dma_wait3A_212 = tpu.memref_slice %arg6[%dma_wait3A_210, %dma_wait3A_211] : memref<1664x32xf32, #tpu.memory_space<vmem>> -> memref<128x32xf32, #tpu.memory_space<vmem>>
    %dma_wait3A_213 = arith.constant 0 : i32
    %dma_wait3A_214 = tpu.memref_slice %arg5[%dma_wait3A_209, %dma_wait3A_213] : memref<13x128xi32, #tpu.memory_space<vmem>> -> memref<1x128xi32, #tpu.memory_space<vmem>>
    %dma_wait3A_215 = tpu.memref_squeeze %dma_wait3A_214 : memref<1x128xi32, #tpu.memory_space<vmem>> -> memref<128xi32, #tpu.memory_space<vmem>>
    %dma_wait3A_216 = arith.constant 0 : i32
    %dma_wait3A_217 = arith.constant 0 : i32
    %dma_wait3A_218 = tpu.memref_slice %arg3[%dma_wait3A_216, %dma_wait3A_217] : memref<100000x32xf32, #tpu.memory_space<hbm>> -> memref<100000x32xf32, #tpu.memory_space<hbm>>
    tpu.wait_indirect_dma semaphore(%arg8 : memref<!tpu.dma_semaphore, #tpu.memory_space<semaphore_mem>>) src(%dma_wait3A_218 : memref<100000x32xf32, #tpu.memory_space<hbm>>) dst(%dma_wait3A_212 : memref<128x32xf32, #tpu.memory_space<vmem>>)
    %dma_wait3A_219 = arith.constant 9 : i32
    %dma_wait3A_220 = arith.constant 1152 : i32
    %dma_wait3A_221 = arith.constant 0 : i32
    %dma_wait3A_222 = tpu.memref_slice %arg6[%dma_wait3A_220, %dma_wait3A_221] : memref<1664x32xf32, #tpu.memory_space<vmem>> -> memref<128x32xf32, #tpu.memory_space<vmem>>
    %dma_wait3A_223 = arith.constant 0 : i32
    %dma_wait3A_224 = tpu.memref_slice %arg5[%dma_wait3A_219, %dma_wait3A_223] : memref<13x128xi32, #tpu.memory_space<vmem>> -> memref<1x128xi32, #tpu.memory_space<vmem>>
    %dma_wait3A_225 = tpu.memref_squeeze %dma_wait3A_224 : memref<1x128xi32, #tpu.memory_space<vmem>> -> memref<128xi32, #tpu.memory_space<vmem>>
    %dma_wait3A_226 = arith.constant 0 : i32
    %dma_wait3A_227 = arith.constant 0 : i32
    %dma_wait3A_228 = tpu.memref_slice %arg3[%dma_wait3A_226, %dma_wait3A_227] : memref<100000x32xf32, #tpu.memory_space<hbm>> -> memref<100000x32xf32, #tpu.memory_space<hbm>>
    tpu.wait_indirect_dma semaphore(%arg8 : memref<!tpu.dma_semaphore, #tpu.memory_space<semaphore_mem>>) src(%dma_wait3A_228 : memref<100000x32xf32, #tpu.memory_space<hbm>>) dst(%dma_wait3A_222 : memref<128x32xf32, #tpu.memory_space<vmem>>)
    %dma_wait3A_229 = arith.constant 10 : i32
    %dma_wait3A_230 = arith.constant 1280 : i32
    %dma_wait3A_231 = arith.constant 0 : i32
    %dma_wait3A_232 = tpu.memref_slice %arg6[%dma_wait3A_230, %dma_wait3A_231] : memref<1664x32xf32, #tpu.memory_space<vmem>> -> memref<128x32xf32, #tpu.memory_space<vmem>>
    %dma_wait3A_233 = arith.constant 0 : i32
    %dma_wait3A_234 = tpu.memref_slice %arg5[%dma_wait3A_229, %dma_wait3A_233] : memref<13x128xi32, #tpu.memory_space<vmem>> -> memref<1x128xi32, #tpu.memory_space<vmem>>
    %dma_wait3A_235 = tpu.memref_squeeze %dma_wait3A_234 : memref<1x128xi32, #tpu.memory_space<vmem>> -> memref<128xi32, #tpu.memory_space<vmem>>
    %dma_wait3A_236 = arith.constant 0 : i32
    %dma_wait3A_237 = arith.constant 0 : i32
    %dma_wait3A_238 = tpu.memref_slice %arg3[%dma_wait3A_236, %dma_wait3A_237] : memref<100000x32xf32, #tpu.memory_space<hbm>> -> memref<100000x32xf32, #tpu.memory_space<hbm>>
    tpu.wait_indirect_dma semaphore(%arg8 : memref<!tpu.dma_semaphore, #tpu.memory_space<semaphore_mem>>) src(%dma_wait3A_238 : memref<100000x32xf32, #tpu.memory_space<hbm>>) dst(%dma_wait3A_232 : memref<128x32xf32, #tpu.memory_space<vmem>>)
    %dma_wait3A_239 = arith.constant 11 : i32
    %dma_wait3A_240 = arith.constant 1408 : i32
    %dma_wait3A_241 = arith.constant 0 : i32
    %dma_wait3A_242 = tpu.memref_slice %arg6[%dma_wait3A_240, %dma_wait3A_241] : memref<1664x32xf32, #tpu.memory_space<vmem>> -> memref<128x32xf32, #tpu.memory_space<vmem>>
    %dma_wait3A_243 = arith.constant 0 : i32
    %dma_wait3A_244 = tpu.memref_slice %arg5[%dma_wait3A_239, %dma_wait3A_243] : memref<13x128xi32, #tpu.memory_space<vmem>> -> memref<1x128xi32, #tpu.memory_space<vmem>>
    %dma_wait3A_245 = tpu.memref_squeeze %dma_wait3A_244 : memref<1x128xi32, #tpu.memory_space<vmem>> -> memref<128xi32, #tpu.memory_space<vmem>>
    %dma_wait3A_246 = arith.constant 0 : i32
    %dma_wait3A_247 = arith.constant 0 : i32
    %dma_wait3A_248 = tpu.memref_slice %arg3[%dma_wait3A_246, %dma_wait3A_247] : memref<100000x32xf32, #tpu.memory_space<hbm>> -> memref<100000x32xf32, #tpu.memory_space<hbm>>
    tpu.wait_indirect_dma semaphore(%arg8 : memref<!tpu.dma_semaphore, #tpu.memory_space<semaphore_mem>>) src(%dma_wait3A_248 : memref<100000x32xf32, #tpu.memory_space<hbm>>) dst(%dma_wait3A_242 : memref<128x32xf32, #tpu.memory_space<vmem>>)
    %dma_wait3A_249 = arith.constant 12 : i32
    %dma_wait3A_250 = arith.constant 1536 : i32
    %dma_wait3A_251 = arith.constant 0 : i32
    %dma_wait3A_252 = tpu.memref_slice %arg6[%dma_wait3A_250, %dma_wait3A_251] : memref<1664x32xf32, #tpu.memory_space<vmem>> -> memref<128x32xf32, #tpu.memory_space<vmem>>
    %dma_wait3A_253 = arith.constant 0 : i32
    %dma_wait3A_254 = tpu.memref_slice %arg5[%dma_wait3A_249, %dma_wait3A_253] : memref<13x128xi32, #tpu.memory_space<vmem>> -> memref<1x128xi32, #tpu.memory_space<vmem>>
    %dma_wait3A_255 = tpu.memref_squeeze %dma_wait3A_254 : memref<1x128xi32, #tpu.memory_space<vmem>> -> memref<128xi32, #tpu.memory_space<vmem>>
    %dma_wait3A_256 = arith.constant 0 : i32
    %dma_wait3A_257 = arith.constant 0 : i32
    %dma_wait3A_258 = tpu.memref_slice %arg3[%dma_wait3A_256, %dma_wait3A_257] : memref<100000x32xf32, #tpu.memory_space<hbm>> -> memref<100000x32xf32, #tpu.memory_space<hbm>>
    tpu.wait_indirect_dma semaphore(%arg8 : memref<!tpu.dma_semaphore, #tpu.memory_space<semaphore_mem>>) src(%dma_wait3A_258 : memref<100000x32xf32, #tpu.memory_space<hbm>>) dst(%dma_wait3A_252 : memref<128x32xf32, #tpu.memory_space<vmem>>)
    %scan3A = arith.constant 0 : i32
    %scan3A_259 = arith.constant 2.000000e-02 : f32
    %scan3A_260 = arith.constant 0 : i32
    %scan3A_261 = arith.constant 32 : i32
    %scan3A_262 = arith.addi %scan3A_260, %scan3A_261 : i32
    %scan3A_263 = arith.constant 1 : i32
    scf.for %scan3A_267 = %scan3A_260 to %scan3A_262 step %scan3A_263  : i32 {
      %mul3A_268 = arith.constant 50 : i32
      %mul3A_269 = arith.muli %scan3A_267, %mul3A_268 : i32
      %add3A_270 = arith.constant 0 : i32
      %add3A_271 = arith.addi %mul3A_269, %add3A_270 : i32
      %get3A = arith.index_cast %add3A_271 : i32 to index
      %get3A_272 = arith.constant 0 : index
      %get3A_273 = tpu.vector_load %arg6[%get3A, %get3A_272] {strides = array<i32>} : memref<1664x32xf32, #tpu.memory_space<vmem>>, vector<1x16xf32>,
      %get3A_274 = vector.shape_cast %get3A_273 : vector<1x16xf32> to vector<16xf32>
      %add3A_275 = arith.constant 1 : i32
      %add3A_276 = arith.addi %mul3A_269, %add3A_275 : i32
      %get3A_277 = arith.index_cast %add3A_276 : i32 to index
      %get3A_278 = arith.constant 0 : index
      %get3A_279 = tpu.vector_load %arg6[%get3A_277, %get3A_278] {strides = array<i32>} : memref<1664x32xf32, #tpu.memory_space<vmem>>, vector<1x16xf32>,
      %get3A_280 = vector.shape_cast %get3A_279 : vector<1x16xf32> to vector<16xf32>
      %add3A_281 = arith.constant 2 : i32
      %add3A_282 = arith.addi %mul3A_269, %add3A_281 : i32
      %get3A_283 = arith.index_cast %add3A_282 : i32 to index
      %get3A_284 = arith.constant 0 : index
      %get3A_285 = tpu.vector_load %arg6[%get3A_283, %get3A_284] {strides = array<i32>} : memref<1664x32xf32, #tpu.memory_space<vmem>>, vector<1x16xf32>,
      %get3A_286 = vector.shape_cast %get3A_285 : vector<1x16xf32> to vector<16xf32>
      %add3A_287 = arith.constant 3 : i32
      %add3A_288 = arith.addi %mul3A_269, %add3A_287 : i32
      %get3A_289 = arith.index_cast %add3A_288 : i32 to index
      %get3A_290 = arith.constant 0 : index
      %get3A_291 = tpu.vector_load %arg6[%get3A_289, %get3A_290] {strides = array<i32>} : memref<1664x32xf32, #tpu.memory_space<vmem>>, vector<1x16xf32>,
      %get3A_292 = vector.shape_cast %get3A_291 : vector<1x16xf32> to vector<16xf32>
      %add3A_293 = arith.constant 0 : i32
      %add3A_294 = arith.addi %mul3A_269, %add3A_293 : i32
      %get3A_295 = arith.index_cast %add3A_294 : i32 to index
      %get3A_296 = arith.constant 16 : index
      %get3A_297 = tpu.vector_load %arg6[%get3A_295, %get3A_296] {strides = array<i32>} : memref<1664x32xf32, #tpu.memory_space<vmem>>, vector<1x16xf32>,
      %get3A_298 = vector.shape_cast %get3A_297 : vector<1x16xf32> to vector<16xf32>
      %add3A_299 = arith.constant 1 : i32
      %add3A_300 = arith.addi %mul3A_269, %add3A_299 : i32
      %get3A_301 = arith.index_cast %add3A_300 : i32 to index
      %get3A_302 = arith.constant 16 : index
      %get3A_303 = tpu.vector_load %arg6[%get3A_301, %get3A_302] {strides = array<i32>} : memref<1664x32xf32, #tpu.memory_space<vmem>>, vector<1x16xf32>,
      %get3A_304 = vector.shape_cast %get3A_303 : vector<1x16xf32> to vector<16xf32>
      %add3A_305 = arith.constant 2 : i32
      %add3A_306 = arith.addi %mul3A_269, %add3A_305 : i32
      %get3A_307 = arith.index_cast %add3A_306 : i32 to index
      %get3A_308 = arith.constant 16 : index
      %get3A_309 = tpu.vector_load %arg6[%get3A_307, %get3A_308] {strides = array<i32>} : memref<1664x32xf32, #tpu.memory_space<vmem>>, vector<1x16xf32>,
      %get3A_310 = vector.shape_cast %get3A_309 : vector<1x16xf32> to vector<16xf32>
      %add3A_311 = arith.constant 3 : i32
      %add3A_312 = arith.addi %mul3A_269, %add3A_311 : i32
      %get3A_313 = arith.index_cast %add3A_312 : i32 to index
      %get3A_314 = arith.constant 16 : index
      %get3A_315 = tpu.vector_load %arg6[%get3A_313, %get3A_314] {strides = array<i32>} : memref<1664x32xf32, #tpu.memory_space<vmem>>, vector<1x16xf32>,
      %get3A_316 = vector.shape_cast %get3A_315 : vector<1x16xf32> to vector<16xf32>
      %add3A_317 = arith.constant 4 : i32
      %add3A_318 = arith.addi %mul3A_269, %add3A_317 : i32
      %get3A_319 = arith.index_cast %add3A_318 : i32 to index
      %get3A_320 = arith.constant 0 : index
      %get3A_321 = tpu.vector_load %arg6[%get3A_319, %get3A_320] {strides = array<i32>} : memref<1664x32xf32, #tpu.memory_space<vmem>>, vector<1x16xf32>,
      %get3A_322 = vector.shape_cast %get3A_321 : vector<1x16xf32> to vector<16xf32>
      %add3A_323 = arith.addf %get3A_274, %get3A_322 : vector<16xf32>
      %add3A_324 = arith.constant 4 : i32
      %add3A_325 = arith.addi %mul3A_269, %add3A_324 : i32
      %get3A_326 = arith.index_cast %add3A_325 : i32 to index
      %get3A_327 = arith.constant 16 : index
      %get3A_328 = tpu.vector_load %arg6[%get3A_326, %get3A_327] {strides = array<i32>} : memref<1664x32xf32, #tpu.memory_space<vmem>>, vector<1x16xf32>,
      %get3A_329 = vector.shape_cast %get3A_328 : vector<1x16xf32> to vector<16xf32>
      %add3A_330 = arith.addf %get3A_298, %get3A_329 : vector<16xf32>
      %add3A_331 = arith.constant 5 : i32
      %add3A_332 = arith.addi %mul3A_269, %add3A_331 : i32
      %get3A_333 = arith.index_cast %add3A_332 : i32 to index
      %get3A_334 = arith.constant 0 : index
      %get3A_335 = tpu.vector_load %arg6[%get3A_333, %get3A_334] {strides = array<i32>} : memref<1664x32xf32, #tpu.memory_space<vmem>>, vector<1x16xf32>,
      %get3A_336 = vector.shape_cast %get3A_335 : vector<1x16xf32> to vector<16xf32>
      %add3A_337 = arith.addf %get3A_280, %get3A_336 : vector<16xf32>
      %add3A_338 = arith.constant 5 : i32
      %add3A_339 = arith.addi %mul3A_269, %add3A_338 : i32
      %get3A_340 = arith.index_cast %add3A_339 : i32 to index
      %get3A_341 = arith.constant 16 : index
      %get3A_342 = tpu.vector_load %arg6[%get3A_340, %get3A_341] {strides = array<i32>} : memref<1664x32xf32, #tpu.memory_space<vmem>>, vector<1x16xf32>,
      %get3A_343 = vector.shape_cast %get3A_342 : vector<1x16xf32> to vector<16xf32>
      %add3A_344 = arith.addf %get3A_304, %get3A_343 : vector<16xf32>
      %add3A_345 = arith.constant 6 : i32
      %add3A_346 = arith.addi %mul3A_269, %add3A_345 : i32
      %get3A_347 = arith.index_cast %add3A_346 : i32 to index
      %get3A_348 = arith.constant 0 : index
      %get3A_349 = tpu.vector_load %arg6[%get3A_347, %get3A_348] {strides = array<i32>} : memref<1664x32xf32, #tpu.memory_space<vmem>>, vector<1x16xf32>,
      %get3A_350 = vector.shape_cast %get3A_349 : vector<1x16xf32> to vector<16xf32>
      %add3A_351 = arith.addf %get3A_286, %get3A_350 : vector<16xf32>
      %add3A_352 = arith.constant 6 : i32
      %add3A_353 = arith.addi %mul3A_269, %add3A_352 : i32
      %get3A_354 = arith.index_cast %add3A_353 : i32 to index
      %get3A_355 = arith.constant 16 : index
      %get3A_356 = tpu.vector_load %arg6[%get3A_354, %get3A_355] {strides = array<i32>} : memref<1664x32xf32, #tpu.memory_space<vmem>>, vector<1x16xf32>,
      %get3A_357 = vector.shape_cast %get3A_356 : vector<1x16xf32> to vector<16xf32>
      %add3A_358 = arith.addf %get3A_310, %get3A_357 : vector<16xf32>
      %add3A_359 = arith.constant 7 : i32
      %add3A_360 = arith.addi %mul3A_269, %add3A_359 : i32
      %get3A_361 = arith.index_cast %add3A_360 : i32 to index
      %get3A_362 = arith.constant 0 : index
      %get3A_363 = tpu.vector_load %arg6[%get3A_361, %get3A_362] {strides = array<i32>} : memref<1664x32xf32, #tpu.memory_space<vmem>>, vector<1x16xf32>,
      %get3A_364 = vector.shape_cast %get3A_363 : vector<1x16xf32> to vector<16xf32>
      %add3A_365 = arith.addf %get3A_292, %get3A_364 : vector<16xf32>
      %add3A_366 = arith.constant 7 : i32
      %add3A_367 = arith.addi %mul3A_269, %add3A_366 : i32
      %get3A_368 = arith.index_cast %add3A_367 : i32 to index
      %get3A_369 = arith.constant 16 : index
      %get3A_370 = tpu.vector_load %arg6[%get3A_368, %get3A_369] {strides = array<i32>} : memref<1664x32xf32, #tpu.memory_space<vmem>>, vector<1x16xf32>,
      %get3A_371 = vector.shape_cast %get3A_370 : vector<1x16xf32> to vector<16xf32>
      %add3A_372 = arith.addf %get3A_316, %get3A_371 : vector<16xf32>
      %add3A_373 = arith.constant 8 : i32
      %add3A_374 = arith.addi %mul3A_269, %add3A_373 : i32
      %get3A_375 = arith.index_cast %add3A_374 : i32 to index
      %get3A_376 = arith.constant 0 : index
      %get3A_377 = tpu.vector_load %arg6[%get3A_375, %get3A_376] {strides = array<i32>} : memref<1664x32xf32, #tpu.memory_space<vmem>>, vector<1x16xf32>,
      %get3A_378 = vector.shape_cast %get3A_377 : vector<1x16xf32> to vector<16xf32>
      %add3A_379 = arith.addf %add3A_323, %get3A_378 : vector<16xf32>
      %add3A_380 = arith.constant 8 : i32
      %add3A_381 = arith.addi %mul3A_269, %add3A_380 : i32
      %get3A_382 = arith.index_cast %add3A_381 : i32 to index
      %get3A_383 = arith.constant 16 : index
      %get3A_384 = tpu.vector_load %arg6[%get3A_382, %get3A_383] {strides = array<i32>} : memref<1664x32xf32, #tpu.memory_space<vmem>>, vector<1x16xf32>,
      %get3A_385 = vector.shape_cast %get3A_384 : vector<1x16xf32> to vector<16xf32>
      %add3A_386 = arith.addf %add3A_330, %get3A_385 : vector<16xf32>
      %add3A_387 = arith.constant 9 : i32
      %add3A_388 = arith.addi %mul3A_269, %add3A_387 : i32
      %get3A_389 = arith.index_cast %add3A_388 : i32 to index
      %get3A_390 = arith.constant 0 : index
      %get3A_391 = tpu.vector_load %arg6[%get3A_389, %get3A_390] {strides = array<i32>} : memref<1664x32xf32, #tpu.memory_space<vmem>>, vector<1x16xf32>,
      %get3A_392 = vector.shape_cast %get3A_391 : vector<1x16xf32> to vector<16xf32>
      %add3A_393 = arith.addf %add3A_337, %get3A_392 : vector<16xf32>
      %add3A_394 = arith.constant 9 : i32
      %add3A_395 = arith.addi %mul3A_269, %add3A_394 : i32
      %get3A_396 = arith.index_cast %add3A_395 : i32 to index
      %get3A_397 = arith.constant 16 : index
      %get3A_398 = tpu.vector_load %arg6[%get3A_396, %get3A_397] {strides = array<i32>} : memref<1664x32xf32, #tpu.memory_space<vmem>>, vector<1x16xf32>,
      %get3A_399 = vector.shape_cast %get3A_398 : vector<1x16xf32> to vector<16xf32>
      %add3A_400 = arith.addf %add3A_344, %get3A_399 : vector<16xf32>
      %add3A_401 = arith.constant 10 : i32
      %add3A_402 = arith.addi %mul3A_269, %add3A_401 : i32
      %get3A_403 = arith.index_cast %add3A_402 : i32 to index
      %get3A_404 = arith.constant 0 : index
      %get3A_405 = tpu.vector_load %arg6[%get3A_403, %get3A_404] {strides = array<i32>} : memref<1664x32xf32, #tpu.memory_space<vmem>>, vector<1x16xf32>,
      %get3A_406 = vector.shape_cast %get3A_405 : vector<1x16xf32> to vector<16xf32>
      %add3A_407 = arith.addf %add3A_351, %get3A_406 : vector<16xf32>
      %add3A_408 = arith.constant 10 : i32
      %add3A_409 = arith.addi %mul3A_269, %add3A_408 : i32
      %get3A_410 = arith.index_cast %add3A_409 : i32 to index
      %get3A_411 = arith.constant 16 : index
      %get3A_412 = tpu.vector_load %arg6[%get3A_410, %get3A_411] {strides = array<i32>} : memref<1664x32xf32, #tpu.memory_space<vmem>>, vector<1x16xf32>,
      %get3A_413 = vector.shape_cast %get3A_412 : vector<1x16xf32> to vector<16xf32>
      %add3A_414 = arith.addf %add3A_358, %get3A_413 : vector<16xf32>
      %add3A_415 = arith.constant 11 : i32
      %add3A_416 = arith.addi %mul3A_269, %add3A_415 : i32
      %get3A_417 = arith.index_cast %add3A_416 : i32 to index
      %get3A_418 = arith.constant 0 : index
      %get3A_419 = tpu.vector_load %arg6[%get3A_417, %get3A_418] {strides = array<i32>} : memref<1664x32xf32, #tpu.memory_space<vmem>>, vector<1x16xf32>,
      %get3A_420 = vector.shape_cast %get3A_419 : vector<1x16xf32> to vector<16xf32>
      %add3A_421 = arith.addf %add3A_365, %get3A_420 : vector<16xf32>
      %add3A_422 = arith.constant 11 : i32
      %add3A_423 = arith.addi %mul3A_269, %add3A_422 : i32
      %get3A_424 = arith.index_cast %add3A_423 : i32 to index
      %get3A_425 = arith.constant 16 : index
      %get3A_426 = tpu.vector_load %arg6[%get3A_424, %get3A_425] {strides = array<i32>} : memref<1664x32xf32, #tpu.memory_space<vmem>>, vector<1x16xf32>,
      %get3A_427 = vector.shape_cast %get3A_426 : vector<1x16xf32> to vector<16xf32>
      %add3A_428 = arith.addf %add3A_372, %get3A_427 : vector<16xf32>
      %add3A_429 = arith.constant 12 : i32
      %add3A_430 = arith.addi %mul3A_269, %add3A_429 : i32
      %get3A_431 = arith.index_cast %add3A_430 : i32 to index
      %get3A_432 = arith.constant 0 : index
      %get3A_433 = tpu.vector_load %arg6[%get3A_431, %get3A_432] {strides = array<i32>} : memref<1664x32xf32, #tpu.memory_space<vmem>>, vector<1x16xf32>,
      %get3A_434 = vector.shape_cast %get3A_433 : vector<1x16xf32> to vector<16xf32>
      %add3A_435 = arith.addf %add3A_379, %get3A_434 : vector<16xf32>
      %add3A_436 = arith.constant 12 : i32
      %add3A_437 = arith.addi %mul3A_269, %add3A_436 : i32
      %get3A_438 = arith.index_cast %add3A_437 : i32 to index
      %get3A_439 = arith.constant 16 : index
      %get3A_440 = tpu.vector_load %arg6[%get3A_438, %get3A_439] {strides = array<i32>} : memref<1664x32xf32, #tpu.memory_space<vmem>>, vector<1x16xf32>,
      %get3A_441 = vector.shape_cast %get3A_440 : vector<1x16xf32> to vector<16xf32>
      %add3A_442 = arith.addf %add3A_386, %get3A_441 : vector<16xf32>
      %add3A_443 = arith.constant 13 : i32
      %add3A_444 = arith.addi %mul3A_269, %add3A_443 : i32
      %get3A_445 = arith.index_cast %add3A_444 : i32 to index
      %get3A_446 = arith.constant 0 : index
      %get3A_447 = tpu.vector_load %arg6[%get3A_445, %get3A_446] {strides = array<i32>} : memref<1664x32xf32, #tpu.memory_space<vmem>>, vector<1x16xf32>,
      %get3A_448 = vector.shape_cast %get3A_447 : vector<1x16xf32> to vector<16xf32>
      %add3A_449 = arith.addf %add3A_393, %get3A_448 : vector<16xf32>
      %add3A_450 = arith.constant 13 : i32
      %add3A_451 = arith.addi %mul3A_269, %add3A_450 : i32
      %get3A_452 = arith.index_cast %add3A_451 : i32 to index
      %get3A_453 = arith.constant 16 : index
      %get3A_454 = tpu.vector_load %arg6[%get3A_452, %get3A_453] {strides = array<i32>} : memref<1664x32xf32, #tpu.memory_space<vmem>>, vector<1x16xf32>,
      %get3A_455 = vector.shape_cast %get3A_454 : vector<1x16xf32> to vector<16xf32>
      %add3A_456 = arith.addf %add3A_400, %get3A_455 : vector<16xf32>
      %add3A_457 = arith.constant 14 : i32
      %add3A_458 = arith.addi %mul3A_269, %add3A_457 : i32
      %get3A_459 = arith.index_cast %add3A_458 : i32 to index
      %get3A_460 = arith.constant 0 : index
      %get3A_461 = tpu.vector_load %arg6[%get3A_459, %get3A_460] {strides = array<i32>} : memref<1664x32xf32, #tpu.memory_space<vmem>>, vector<1x16xf32>,
      %get3A_462 = vector.shape_cast %get3A_461 : vector<1x16xf32> to vector<16xf32>
      %add3A_463 = arith.addf %add3A_407, %get3A_462 : vector<16xf32>
      %add3A_464 = arith.constant 14 : i32
      %add3A_465 = arith.addi %mul3A_269, %add3A_464 : i32
      %get3A_466 = arith.index_cast %add3A_465 : i32 to index
      %get3A_467 = arith.constant 16 : index
      %get3A_468 = tpu.vector_load %arg6[%get3A_466, %get3A_467] {strides = array<i32>} : memref<1664x32xf32, #tpu.memory_space<vmem>>, vector<1x16xf32>,
      %get3A_469 = vector.shape_cast %get3A_468 : vector<1x16xf32> to vector<16xf32>
      %add3A_470 = arith.addf %add3A_414, %get3A_469 : vector<16xf32>
      %add3A_471 = arith.constant 15 : i32
      %add3A_472 = arith.addi %mul3A_269, %add3A_471 : i32
      %get3A_473 = arith.index_cast %add3A_472 : i32 to index
      %get3A_474 = arith.constant 0 : index
      %get3A_475 = tpu.vector_load %arg6[%get3A_473, %get3A_474] {strides = array<i32>} : memref<1664x32xf32, #tpu.memory_space<vmem>>, vector<1x16xf32>,
      %get3A_476 = vector.shape_cast %get3A_475 : vector<1x16xf32> to vector<16xf32>
      %add3A_477 = arith.addf %add3A_421, %get3A_476 : vector<16xf32>
      %add3A_478 = arith.constant 15 : i32
      %add3A_479 = arith.addi %mul3A_269, %add3A_478 : i32
      %get3A_480 = arith.index_cast %add3A_479 : i32 to index
      %get3A_481 = arith.constant 16 : index
      %get3A_482 = tpu.vector_load %arg6[%get3A_480, %get3A_481] {strides = array<i32>} : memref<1664x32xf32, #tpu.memory_space<vmem>>, vector<1x16xf32>,
      %get3A_483 = vector.shape_cast %get3A_482 : vector<1x16xf32> to vector<16xf32>
      %add3A_484 = arith.addf %add3A_428, %get3A_483 : vector<16xf32>
      %add3A_485 = arith.constant 16 : i32
      %add3A_486 = arith.addi %mul3A_269, %add3A_485 : i32
      %get3A_487 = arith.index_cast %add3A_486 : i32 to index
      %get3A_488 = arith.constant 0 : index
      %get3A_489 = tpu.vector_load %arg6[%get3A_487, %get3A_488] {strides = array<i32>} : memref<1664x32xf32, #tpu.memory_space<vmem>>, vector<1x16xf32>,
      %get3A_490 = vector.shape_cast %get3A_489 : vector<1x16xf32> to vector<16xf32>
      %add3A_491 = arith.addf %add3A_435, %get3A_490 : vector<16xf32>
      %add3A_492 = arith.constant 16 : i32
      %add3A_493 = arith.addi %mul3A_269, %add3A_492 : i32
      %get3A_494 = arith.index_cast %add3A_493 : i32 to index
      %get3A_495 = arith.constant 16 : index
      %get3A_496 = tpu.vector_load %arg6[%get3A_494, %get3A_495] {strides = array<i32>} : memref<1664x32xf32, #tpu.memory_space<vmem>>, vector<1x16xf32>,
      %get3A_497 = vector.shape_cast %get3A_496 : vector<1x16xf32> to vector<16xf32>
      %add3A_498 = arith.addf %add3A_442, %get3A_497 : vector<16xf32>
      %add3A_499 = arith.constant 17 : i32
      %add3A_500 = arith.addi %mul3A_269, %add3A_499 : i32
      %get3A_501 = arith.index_cast %add3A_500 : i32 to index
      %get3A_502 = arith.constant 0 : index
      %get3A_503 = tpu.vector_load %arg6[%get3A_501, %get3A_502] {strides = array<i32>} : memref<1664x32xf32, #tpu.memory_space<vmem>>, vector<1x16xf32>,
      %get3A_504 = vector.shape_cast %get3A_503 : vector<1x16xf32> to vector<16xf32>
      %add3A_505 = arith.addf %add3A_449, %get3A_504 : vector<16xf32>
      %add3A_506 = arith.constant 17 : i32
      %add3A_507 = arith.addi %mul3A_269, %add3A_506 : i32
      %get3A_508 = arith.index_cast %add3A_507 : i32 to index
      %get3A_509 = arith.constant 16 : index
      %get3A_510 = tpu.vector_load %arg6[%get3A_508, %get3A_509] {strides = array<i32>} : memref<1664x32xf32, #tpu.memory_space<vmem>>, vector<1x16xf32>,
      %get3A_511 = vector.shape_cast %get3A_510 : vector<1x16xf32> to vector<16xf32>
      %add3A_512 = arith.addf %add3A_456, %get3A_511 : vector<16xf32>
      %add3A_513 = arith.constant 18 : i32
      %add3A_514 = arith.addi %mul3A_269, %add3A_513 : i32
      %get3A_515 = arith.index_cast %add3A_514 : i32 to index
      %get3A_516 = arith.constant 0 : index
      %get3A_517 = tpu.vector_load %arg6[%get3A_515, %get3A_516] {strides = array<i32>} : memref<1664x32xf32, #tpu.memory_space<vmem>>, vector<1x16xf32>,
      %get3A_518 = vector.shape_cast %get3A_517 : vector<1x16xf32> to vector<16xf32>
      %add3A_519 = arith.addf %add3A_463, %get3A_518 : vector<16xf32>
      %add3A_520 = arith.constant 18 : i32
      %add3A_521 = arith.addi %mul3A_269, %add3A_520 : i32
      %get3A_522 = arith.index_cast %add3A_521 : i32 to index
      %get3A_523 = arith.constant 16 : index
      %get3A_524 = tpu.vector_load %arg6[%get3A_522, %get3A_523] {strides = array<i32>} : memref<1664x32xf32, #tpu.memory_space<vmem>>, vector<1x16xf32>,
      %get3A_525 = vector.shape_cast %get3A_524 : vector<1x16xf32> to vector<16xf32>
      %add3A_526 = arith.addf %add3A_470, %get3A_525 : vector<16xf32>
      %add3A_527 = arith.constant 19 : i32
      %add3A_528 = arith.addi %mul3A_269, %add3A_527 : i32
      %get3A_529 = arith.index_cast %add3A_528 : i32 to index
      %get3A_530 = arith.constant 0 : index
      %get3A_531 = tpu.vector_load %arg6[%get3A_529, %get3A_530] {strides = array<i32>} : memref<1664x32xf32, #tpu.memory_space<vmem>>, vector<1x16xf32>,
      %get3A_532 = vector.shape_cast %get3A_531 : vector<1x16xf32> to vector<16xf32>
      %add3A_533 = arith.addf %add3A_477, %get3A_532 : vector<16xf32>
      %add3A_534 = arith.constant 19 : i32
      %add3A_535 = arith.addi %mul3A_269, %add3A_534 : i32
      %get3A_536 = arith.index_cast %add3A_535 : i32 to index
      %get3A_537 = arith.constant 16 : index
      %get3A_538 = tpu.vector_load %arg6[%get3A_536, %get3A_537] {strides = array<i32>} : memref<1664x32xf32, #tpu.memory_space<vmem>>, vector<1x16xf32>,
      %get3A_539 = vector.shape_cast %get3A_538 : vector<1x16xf32> to vector<16xf32>
      %add3A_540 = arith.addf %add3A_484, %get3A_539 : vector<16xf32>
      %add3A_541 = arith.constant 20 : i32
      %add3A_542 = arith.addi %mul3A_269, %add3A_541 : i32
      %get3A_543 = arith.index_cast %add3A_542 : i32 to index
      %get3A_544 = arith.constant 0 : index
      %get3A_545 = tpu.vector_load %arg6[%get3A_543, %get3A_544] {strides = array<i32>} : memref<1664x32xf32, #tpu.memory_space<vmem>>, vector<1x16xf32>,
      %get3A_546 = vector.shape_cast %get3A_545 : vector<1x16xf32> to vector<16xf32>
      %add3A_547 = arith.addf %add3A_491, %get3A_546 : vector<16xf32>
      %add3A_548 = arith.constant 20 : i32
      %add3A_549 = arith.addi %mul3A_269, %add3A_548 : i32
      %get3A_550 = arith.index_cast %add3A_549 : i32 to index
      %get3A_551 = arith.constant 16 : index
      %get3A_552 = tpu.vector_load %arg6[%get3A_550, %get3A_551] {strides = array<i32>} : memref<1664x32xf32, #tpu.memory_space<vmem>>, vector<1x16xf32>,
      %get3A_553 = vector.shape_cast %get3A_552 : vector<1x16xf32> to vector<16xf32>
      %add3A_554 = arith.addf %add3A_498, %get3A_553 : vector<16xf32>
      %add3A_555 = arith.constant 21 : i32
      %add3A_556 = arith.addi %mul3A_269, %add3A_555 : i32
      %get3A_557 = arith.index_cast %add3A_556 : i32 to index
      %get3A_558 = arith.constant 0 : index
      %get3A_559 = tpu.vector_load %arg6[%get3A_557, %get3A_558] {strides = array<i32>} : memref<1664x32xf32, #tpu.memory_space<vmem>>, vector<1x16xf32>,
      %get3A_560 = vector.shape_cast %get3A_559 : vector<1x16xf32> to vector<16xf32>
      %add3A_561 = arith.addf %add3A_505, %get3A_560 : vector<16xf32>
      %add3A_562 = arith.constant 21 : i32
      %add3A_563 = arith.addi %mul3A_269, %add3A_562 : i32
      %get3A_564 = arith.index_cast %add3A_563 : i32 to index
      %get3A_565 = arith.constant 16 : index
      %get3A_566 = tpu.vector_load %arg6[%get3A_564, %get3A_565] {strides = array<i32>} : memref<1664x32xf32, #tpu.memory_space<vmem>>, vector<1x16xf32>,
      %get3A_567 = vector.shape_cast %get3A_566 : vector<1x16xf32> to vector<16xf32>
      %add3A_568 = arith.addf %add3A_512, %get3A_567 : vector<16xf32>
      %add3A_569 = arith.constant 22 : i32
      %add3A_570 = arith.addi %mul3A_269, %add3A_569 : i32
      %get3A_571 = arith.index_cast %add3A_570 : i32 to index
      %get3A_572 = arith.constant 0 : index
      %get3A_573 = tpu.vector_load %arg6[%get3A_571, %get3A_572] {strides = array<i32>} : memref<1664x32xf32, #tpu.memory_space<vmem>>, vector<1x16xf32>,
      %get3A_574 = vector.shape_cast %get3A_573 : vector<1x16xf32> to vector<16xf32>
      %add3A_575 = arith.addf %add3A_519, %get3A_574 : vector<16xf32>
      %add3A_576 = arith.constant 22 : i32
      %add3A_577 = arith.addi %mul3A_269, %add3A_576 : i32
      %get3A_578 = arith.index_cast %add3A_577 : i32 to index
      %get3A_579 = arith.constant 16 : index
      %get3A_580 = tpu.vector_load %arg6[%get3A_578, %get3A_579] {strides = array<i32>} : memref<1664x32xf32, #tpu.memory_space<vmem>>, vector<1x16xf32>,
      %get3A_581 = vector.shape_cast %get3A_580 : vector<1x16xf32> to vector<16xf32>
      %add3A_582 = arith.addf %add3A_526, %get3A_581 : vector<16xf32>
      %add3A_583 = arith.constant 23 : i32
      %add3A_584 = arith.addi %mul3A_269, %add3A_583 : i32
      %get3A_585 = arith.index_cast %add3A_584 : i32 to index
      %get3A_586 = arith.constant 0 : index
      %get3A_587 = tpu.vector_load %arg6[%get3A_585, %get3A_586] {strides = array<i32>} : memref<1664x32xf32, #tpu.memory_space<vmem>>, vector<1x16xf32>,
      %get3A_588 = vector.shape_cast %get3A_587 : vector<1x16xf32> to vector<16xf32>
      %add3A_589 = arith.addf %add3A_533, %get3A_588 : vector<16xf32>
      %add3A_590 = arith.constant 23 : i32
      %add3A_591 = arith.addi %mul3A_269, %add3A_590 : i32
      %get3A_592 = arith.index_cast %add3A_591 : i32 to index
      %get3A_593 = arith.constant 16 : index
      %get3A_594 = tpu.vector_load %arg6[%get3A_592, %get3A_593] {strides = array<i32>} : memref<1664x32xf32, #tpu.memory_space<vmem>>, vector<1x16xf32>,
      %get3A_595 = vector.shape_cast %get3A_594 : vector<1x16xf32> to vector<16xf32>
      %add3A_596 = arith.addf %add3A_540, %get3A_595 : vector<16xf32>
      %add3A_597 = arith.constant 24 : i32
      %add3A_598 = arith.addi %mul3A_269, %add3A_597 : i32
      %get3A_599 = arith.index_cast %add3A_598 : i32 to index
      %get3A_600 = arith.constant 0 : index
      %get3A_601 = tpu.vector_load %arg6[%get3A_599, %get3A_600] {strides = array<i32>} : memref<1664x32xf32, #tpu.memory_space<vmem>>, vector<1x16xf32>,
      %get3A_602 = vector.shape_cast %get3A_601 : vector<1x16xf32> to vector<16xf32>
      %add3A_603 = arith.addf %add3A_547, %get3A_602 : vector<16xf32>
      %add3A_604 = arith.constant 24 : i32
      %add3A_605 = arith.addi %mul3A_269, %add3A_604 : i32
      %get3A_606 = arith.index_cast %add3A_605 : i32 to index
      %get3A_607 = arith.constant 16 : index
      %get3A_608 = tpu.vector_load %arg6[%get3A_606, %get3A_607] {strides = array<i32>} : memref<1664x32xf32, #tpu.memory_space<vmem>>, vector<1x16xf32>,
      %get3A_609 = vector.shape_cast %get3A_608 : vector<1x16xf32> to vector<16xf32>
      %add3A_610 = arith.addf %add3A_554, %get3A_609 : vector<16xf32>
      %add3A_611 = arith.constant 25 : i32
      %add3A_612 = arith.addi %mul3A_269, %add3A_611 : i32
      %get3A_613 = arith.index_cast %add3A_612 : i32 to index
      %get3A_614 = arith.constant 0 : index
      %get3A_615 = tpu.vector_load %arg6[%get3A_613, %get3A_614] {strides = array<i32>} : memref<1664x32xf32, #tpu.memory_space<vmem>>, vector<1x16xf32>,
      %get3A_616 = vector.shape_cast %get3A_615 : vector<1x16xf32> to vector<16xf32>
      %add3A_617 = arith.addf %add3A_561, %get3A_616 : vector<16xf32>
      %add3A_618 = arith.constant 25 : i32
      %add3A_619 = arith.addi %mul3A_269, %add3A_618 : i32
      %get3A_620 = arith.index_cast %add3A_619 : i32 to index
      %get3A_621 = arith.constant 16 : index
      %get3A_622 = tpu.vector_load %arg6[%get3A_620, %get3A_621] {strides = array<i32>} : memref<1664x32xf32, #tpu.memory_space<vmem>>, vector<1x16xf32>,
      %get3A_623 = vector.shape_cast %get3A_622 : vector<1x16xf32> to vector<16xf32>
      %add3A_624 = arith.addf %add3A_568, %get3A_623 : vector<16xf32>
      %add3A_625 = arith.constant 26 : i32
      %add3A_626 = arith.addi %mul3A_269, %add3A_625 : i32
      %get3A_627 = arith.index_cast %add3A_626 : i32 to index
      %get3A_628 = arith.constant 0 : index
      %get3A_629 = tpu.vector_load %arg6[%get3A_627, %get3A_628] {strides = array<i32>} : memref<1664x32xf32, #tpu.memory_space<vmem>>, vector<1x16xf32>,
      %get3A_630 = vector.shape_cast %get3A_629 : vector<1x16xf32> to vector<16xf32>
      %add3A_631 = arith.addf %add3A_575, %get3A_630 : vector<16xf32>
      %add3A_632 = arith.constant 26 : i32
      %add3A_633 = arith.addi %mul3A_269, %add3A_632 : i32
      %get3A_634 = arith.index_cast %add3A_633 : i32 to index
      %get3A_635 = arith.constant 16 : index
      %get3A_636 = tpu.vector_load %arg6[%get3A_634, %get3A_635] {strides = array<i32>} : memref<1664x32xf32, #tpu.memory_space<vmem>>, vector<1x16xf32>,
      %get3A_637 = vector.shape_cast %get3A_636 : vector<1x16xf32> to vector<16xf32>
      %add3A_638 = arith.addf %add3A_582, %get3A_637 : vector<16xf32>
      %add3A_639 = arith.constant 27 : i32
      %add3A_640 = arith.addi %mul3A_269, %add3A_639 : i32
      %get3A_641 = arith.index_cast %add3A_640 : i32 to index
      %get3A_642 = arith.constant 0 : index
      %get3A_643 = tpu.vector_load %arg6[%get3A_641, %get3A_642] {strides = array<i32>} : memref<1664x32xf32, #tpu.memory_space<vmem>>, vector<1x16xf32>,
      %get3A_644 = vector.shape_cast %get3A_643 : vector<1x16xf32> to vector<16xf32>
      %add3A_645 = arith.addf %add3A_589, %get3A_644 : vector<16xf32>
      %add3A_646 = arith.constant 27 : i32
      %add3A_647 = arith.addi %mul3A_269, %add3A_646 : i32
      %get3A_648 = arith.index_cast %add3A_647 : i32 to index
      %get3A_649 = arith.constant 16 : index
      %get3A_650 = tpu.vector_load %arg6[%get3A_648, %get3A_649] {strides = array<i32>} : memref<1664x32xf32, #tpu.memory_space<vmem>>, vector<1x16xf32>,
      %get3A_651 = vector.shape_cast %get3A_650 : vector<1x16xf32> to vector<16xf32>
      %add3A_652 = arith.addf %add3A_596, %get3A_651 : vector<16xf32>
      %add3A_653 = arith.constant 28 : i32
      %add3A_654 = arith.addi %mul3A_269, %add3A_653 : i32
      %get3A_655 = arith.index_cast %add3A_654 : i32 to index
      %get3A_656 = arith.constant 0 : index
      %get3A_657 = tpu.vector_load %arg6[%get3A_655, %get3A_656] {strides = array<i32>} : memref<1664x32xf32, #tpu.memory_space<vmem>>, vector<1x16xf32>,
      %get3A_658 = vector.shape_cast %get3A_657 : vector<1x16xf32> to vector<16xf32>
      %add3A_659 = arith.addf %add3A_603, %get3A_658 : vector<16xf32>
      %add3A_660 = arith.constant 28 : i32
      %add3A_661 = arith.addi %mul3A_269, %add3A_660 : i32
      %get3A_662 = arith.index_cast %add3A_661 : i32 to index
      %get3A_663 = arith.constant 16 : index
      %get3A_664 = tpu.vector_load %arg6[%get3A_662, %get3A_663] {strides = array<i32>} : memref<1664x32xf32, #tpu.memory_space<vmem>>, vector<1x16xf32>,
      %get3A_665 = vector.shape_cast %get3A_664 : vector<1x16xf32> to vector<16xf32>
      %add3A_666 = arith.addf %add3A_610, %get3A_665 : vector<16xf32>
      %add3A_667 = arith.constant 29 : i32
      %add3A_668 = arith.addi %mul3A_269, %add3A_667 : i32
      %get3A_669 = arith.index_cast %add3A_668 : i32 to index
      %get3A_670 = arith.constant 0 : index
      %get3A_671 = tpu.vector_load %arg6[%get3A_669, %get3A_670] {strides = array<i32>} : memref<1664x32xf32, #tpu.memory_space<vmem>>, vector<1x16xf32>,
      %get3A_672 = vector.shape_cast %get3A_671 : vector<1x16xf32> to vector<16xf32>
      %add3A_673 = arith.addf %add3A_617, %get3A_672 : vector<16xf32>
      %add3A_674 = arith.constant 29 : i32
      %add3A_675 = arith.addi %mul3A_269, %add3A_674 : i32
      %get3A_676 = arith.index_cast %add3A_675 : i32 to index
      %get3A_677 = arith.constant 16 : index
      %get3A_678 = tpu.vector_load %arg6[%get3A_676, %get3A_677] {strides = array<i32>} : memref<1664x32xf32, #tpu.memory_space<vmem>>, vector<1x16xf32>,
      %get3A_679 = vector.shape_cast %get3A_678 : vector<1x16xf32> to vector<16xf32>
      %add3A_680 = arith.addf %add3A_624, %get3A_679 : vector<16xf32>
      %add3A_681 = arith.constant 30 : i32
      %add3A_682 = arith.addi %mul3A_269, %add3A_681 : i32
      %get3A_683 = arith.index_cast %add3A_682 : i32 to index
      %get3A_684 = arith.constant 0 : index
      %get3A_685 = tpu.vector_load %arg6[%get3A_683, %get3A_684] {strides = array<i32>} : memref<1664x32xf32, #tpu.memory_space<vmem>>, vector<1x16xf32>,
      %get3A_686 = vector.shape_cast %get3A_685 : vector<1x16xf32> to vector<16xf32>
      %add3A_687 = arith.addf %add3A_631, %get3A_686 : vector<16xf32>
      %add3A_688 = arith.constant 30 : i32
      %add3A_689 = arith.addi %mul3A_269, %add3A_688 : i32
      %get3A_690 = arith.index_cast %add3A_689 : i32 to index
      %get3A_691 = arith.constant 16 : index
      %get3A_692 = tpu.vector_load %arg6[%get3A_690, %get3A_691] {strides = array<i32>} : memref<1664x32xf32, #tpu.memory_space<vmem>>, vector<1x16xf32>,
      %get3A_693 = vector.shape_cast %get3A_692 : vector<1x16xf32> to vector<16xf32>
      %add3A_694 = arith.addf %add3A_638, %get3A_693 : vector<16xf32>
      %add3A_695 = arith.constant 31 : i32
      %add3A_696 = arith.addi %mul3A_269, %add3A_695 : i32
      %get3A_697 = arith.index_cast %add3A_696 : i32 to index
      %get3A_698 = arith.constant 0 : index
      %get3A_699 = tpu.vector_load %arg6[%get3A_697, %get3A_698] {strides = array<i32>} : memref<1664x32xf32, #tpu.memory_space<vmem>>, vector<1x16xf32>,
      %get3A_700 = vector.shape_cast %get3A_699 : vector<1x16xf32> to vector<16xf32>
      %add3A_701 = arith.addf %add3A_645, %get3A_700 : vector<16xf32>
      %add3A_702 = arith.constant 31 : i32
      %add3A_703 = arith.addi %mul3A_269, %add3A_702 : i32
      %get3A_704 = arith.index_cast %add3A_703 : i32 to index
      %get3A_705 = arith.constant 16 : index
      %get3A_706 = tpu.vector_load %arg6[%get3A_704, %get3A_705] {strides = array<i32>} : memref<1664x32xf32, #tpu.memory_space<vmem>>, vector<1x16xf32>,
      %get3A_707 = vector.shape_cast %get3A_706 : vector<1x16xf32> to vector<16xf32>
      %add3A_708 = arith.addf %add3A_652, %get3A_707 : vector<16xf32>
      %add3A_709 = arith.constant 32 : i32
      %add3A_710 = arith.addi %mul3A_269, %add3A_709 : i32
      %get3A_711 = arith.index_cast %add3A_710 : i32 to index
      %get3A_712 = arith.constant 0 : index
      %get3A_713 = tpu.vector_load %arg6[%get3A_711, %get3A_712] {strides = array<i32>} : memref<1664x32xf32, #tpu.memory_space<vmem>>, vector<1x16xf32>,
      %get3A_714 = vector.shape_cast %get3A_713 : vector<1x16xf32> to vector<16xf32>
      %add3A_715 = arith.addf %add3A_659, %get3A_714 : vector<16xf32>
      %add3A_716 = arith.constant 32 : i32
      %add3A_717 = arith.addi %mul3A_269, %add3A_716 : i32
      %get3A_718 = arith.index_cast %add3A_717 : i32 to index
      %get3A_719 = arith.constant 16 : index
      %get3A_720 = tpu.vector_load %arg6[%get3A_718, %get3A_719] {strides = array<i32>} : memref<1664x32xf32, #tpu.memory_space<vmem>>, vector<1x16xf32>,
      %get3A_721 = vector.shape_cast %get3A_720 : vector<1x16xf32> to vector<16xf32>
      %add3A_722 = arith.addf %add3A_666, %get3A_721 : vector<16xf32>
      %add3A_723 = arith.constant 33 : i32
      %add3A_724 = arith.addi %mul3A_269, %add3A_723 : i32
      %get3A_725 = arith.index_cast %add3A_724 : i32 to index
      %get3A_726 = arith.constant 0 : index
      %get3A_727 = tpu.vector_load %arg6[%get3A_725, %get3A_726] {strides = array<i32>} : memref<1664x32xf32, #tpu.memory_space<vmem>>, vector<1x16xf32>,
      %get3A_728 = vector.shape_cast %get3A_727 : vector<1x16xf32> to vector<16xf32>
      %add3A_729 = arith.addf %add3A_673, %get3A_728 : vector<16xf32>
      %add3A_730 = arith.constant 33 : i32
      %add3A_731 = arith.addi %mul3A_269, %add3A_730 : i32
      %get3A_732 = arith.index_cast %add3A_731 : i32 to index
      %get3A_733 = arith.constant 16 : index
      %get3A_734 = tpu.vector_load %arg6[%get3A_732, %get3A_733] {strides = array<i32>} : memref<1664x32xf32, #tpu.memory_space<vmem>>, vector<1x16xf32>,
      %get3A_735 = vector.shape_cast %get3A_734 : vector<1x16xf32> to vector<16xf32>
      %add3A_736 = arith.addf %add3A_680, %get3A_735 : vector<16xf32>
      %add3A_737 = arith.constant 34 : i32
      %add3A_738 = arith.addi %mul3A_269, %add3A_737 : i32
      %get3A_739 = arith.index_cast %add3A_738 : i32 to index
      %get3A_740 = arith.constant 0 : index
      %get3A_741 = tpu.vector_load %arg6[%get3A_739, %get3A_740] {strides = array<i32>} : memref<1664x32xf32, #tpu.memory_space<vmem>>, vector<1x16xf32>,
      %get3A_742 = vector.shape_cast %get3A_741 : vector<1x16xf32> to vector<16xf32>
      %add3A_743 = arith.addf %add3A_687, %get3A_742 : vector<16xf32>
      %add3A_744 = arith.constant 34 : i32
      %add3A_745 = arith.addi %mul3A_269, %add3A_744 : i32
      %get3A_746 = arith.index_cast %add3A_745 : i32 to index
      %get3A_747 = arith.constant 16 : index
      %get3A_748 = tpu.vector_load %arg6[%get3A_746, %get3A_747] {strides = array<i32>} : memref<1664x32xf32, #tpu.memory_space<vmem>>, vector<1x16xf32>,
      %get3A_749 = vector.shape_cast %get3A_748 : vector<1x16xf32> to vector<16xf32>
      %add3A_750 = arith.addf %add3A_694, %get3A_749 : vector<16xf32>
      %add3A_751 = arith.constant 35 : i32
      %add3A_752 = arith.addi %mul3A_269, %add3A_751 : i32
      %get3A_753 = arith.index_cast %add3A_752 : i32 to index
      %get3A_754 = arith.constant 0 : index
      %get3A_755 = tpu.vector_load %arg6[%get3A_753, %get3A_754] {strides = array<i32>} : memref<1664x32xf32, #tpu.memory_space<vmem>>, vector<1x16xf32>,
      %get3A_756 = vector.shape_cast %get3A_755 : vector<1x16xf32> to vector<16xf32>
      %add3A_757 = arith.addf %add3A_701, %get3A_756 : vector<16xf32>
      %add3A_758 = arith.constant 35 : i32
      %add3A_759 = arith.addi %mul3A_269, %add3A_758 : i32
      %get3A_760 = arith.index_cast %add3A_759 : i32 to index
      %get3A_761 = arith.constant 16 : index
      %get3A_762 = tpu.vector_load %arg6[%get3A_760, %get3A_761] {strides = array<i32>} : memref<1664x32xf32, #tpu.memory_space<vmem>>, vector<1x16xf32>,
      %get3A_763 = vector.shape_cast %get3A_762 : vector<1x16xf32> to vector<16xf32>
      %add3A_764 = arith.addf %add3A_708, %get3A_763 : vector<16xf32>
      %add3A_765 = arith.constant 36 : i32
      %add3A_766 = arith.addi %mul3A_269, %add3A_765 : i32
      %get3A_767 = arith.index_cast %add3A_766 : i32 to index
      %get3A_768 = arith.constant 0 : index
      %get3A_769 = tpu.vector_load %arg6[%get3A_767, %get3A_768] {strides = array<i32>} : memref<1664x32xf32, #tpu.memory_space<vmem>>, vector<1x16xf32>,
      %get3A_770 = vector.shape_cast %get3A_769 : vector<1x16xf32> to vector<16xf32>
      %add3A_771 = arith.addf %add3A_715, %get3A_770 : vector<16xf32>
      %add3A_772 = arith.constant 36 : i32
      %add3A_773 = arith.addi %mul3A_269, %add3A_772 : i32
      %get3A_774 = arith.index_cast %add3A_773 : i32 to index
      %get3A_775 = arith.constant 16 : index
      %get3A_776 = tpu.vector_load %arg6[%get3A_774, %get3A_775] {strides = array<i32>} : memref<1664x32xf32, #tpu.memory_space<vmem>>, vector<1x16xf32>,
      %get3A_777 = vector.shape_cast %get3A_776 : vector<1x16xf32> to vector<16xf32>
      %add3A_778 = arith.addf %add3A_722, %get3A_777 : vector<16xf32>
      %add3A_779 = arith.constant 37 : i32
      %add3A_780 = arith.addi %mul3A_269, %add3A_779 : i32
      %get3A_781 = arith.index_cast %add3A_780 : i32 to index
      %get3A_782 = arith.constant 0 : index
      %get3A_783 = tpu.vector_load %arg6[%get3A_781, %get3A_782] {strides = array<i32>} : memref<1664x32xf32, #tpu.memory_space<vmem>>, vector<1x16xf32>,
      %get3A_784 = vector.shape_cast %get3A_783 : vector<1x16xf32> to vector<16xf32>
      %add3A_785 = arith.addf %add3A_729, %get3A_784 : vector<16xf32>
      %add3A_786 = arith.constant 37 : i32
      %add3A_787 = arith.addi %mul3A_269, %add3A_786 : i32
      %get3A_788 = arith.index_cast %add3A_787 : i32 to index
      %get3A_789 = arith.constant 16 : index
      %get3A_790 = tpu.vector_load %arg6[%get3A_788, %get3A_789] {strides = array<i32>} : memref<1664x32xf32, #tpu.memory_space<vmem>>, vector<1x16xf32>,
      %get3A_791 = vector.shape_cast %get3A_790 : vector<1x16xf32> to vector<16xf32>
      %add3A_792 = arith.addf %add3A_736, %get3A_791 : vector<16xf32>
      %add3A_793 = arith.constant 38 : i32
      %add3A_794 = arith.addi %mul3A_269, %add3A_793 : i32
      %get3A_795 = arith.index_cast %add3A_794 : i32 to index
      %get3A_796 = arith.constant 0 : index
      %get3A_797 = tpu.vector_load %arg6[%get3A_795, %get3A_796] {strides = array<i32>} : memref<1664x32xf32, #tpu.memory_space<vmem>>, vector<1x16xf32>,
      %get3A_798 = vector.shape_cast %get3A_797 : vector<1x16xf32> to vector<16xf32>
      %add3A_799 = arith.addf %add3A_743, %get3A_798 : vector<16xf32>
      %add3A_800 = arith.constant 38 : i32
      %add3A_801 = arith.addi %mul3A_269, %add3A_800 : i32
      %get3A_802 = arith.index_cast %add3A_801 : i32 to index
      %get3A_803 = arith.constant 16 : index
      %get3A_804 = tpu.vector_load %arg6[%get3A_802, %get3A_803] {strides = array<i32>} : memref<1664x32xf32, #tpu.memory_space<vmem>>, vector<1x16xf32>,
      %get3A_805 = vector.shape_cast %get3A_804 : vector<1x16xf32> to vector<16xf32>
      %add3A_806 = arith.addf %add3A_750, %get3A_805 : vector<16xf32>
      %add3A_807 = arith.constant 39 : i32
      %add3A_808 = arith.addi %mul3A_269, %add3A_807 : i32
      %get3A_809 = arith.index_cast %add3A_808 : i32 to index
      %get3A_810 = arith.constant 0 : index
      %get3A_811 = tpu.vector_load %arg6[%get3A_809, %get3A_810] {strides = array<i32>} : memref<1664x32xf32, #tpu.memory_space<vmem>>, vector<1x16xf32>,
      %get3A_812 = vector.shape_cast %get3A_811 : vector<1x16xf32> to vector<16xf32>
      %add3A_813 = arith.addf %add3A_757, %get3A_812 : vector<16xf32>
      %add3A_814 = arith.constant 39 : i32
      %add3A_815 = arith.addi %mul3A_269, %add3A_814 : i32
      %get3A_816 = arith.index_cast %add3A_815 : i32 to index
      %get3A_817 = arith.constant 16 : index
      %get3A_818 = tpu.vector_load %arg6[%get3A_816, %get3A_817] {strides = array<i32>} : memref<1664x32xf32, #tpu.memory_space<vmem>>, vector<1x16xf32>,
      %get3A_819 = vector.shape_cast %get3A_818 : vector<1x16xf32> to vector<16xf32>
      %add3A_820 = arith.addf %add3A_764, %get3A_819 : vector<16xf32>
      %add3A_821 = arith.constant 40 : i32
      %add3A_822 = arith.addi %mul3A_269, %add3A_821 : i32
      %get3A_823 = arith.index_cast %add3A_822 : i32 to index
      %get3A_824 = arith.constant 0 : index
      %get3A_825 = tpu.vector_load %arg6[%get3A_823, %get3A_824] {strides = array<i32>} : memref<1664x32xf32, #tpu.memory_space<vmem>>, vector<1x16xf32>,
      %get3A_826 = vector.shape_cast %get3A_825 : vector<1x16xf32> to vector<16xf32>
      %add3A_827 = arith.addf %add3A_771, %get3A_826 : vector<16xf32>
      %add3A_828 = arith.constant 40 : i32
      %add3A_829 = arith.addi %mul3A_269, %add3A_828 : i32
      %get3A_830 = arith.index_cast %add3A_829 : i32 to index
      %get3A_831 = arith.constant 16 : index
      %get3A_832 = tpu.vector_load %arg6[%get3A_830, %get3A_831] {strides = array<i32>} : memref<1664x32xf32, #tpu.memory_space<vmem>>, vector<1x16xf32>,
      %get3A_833 = vector.shape_cast %get3A_832 : vector<1x16xf32> to vector<16xf32>
      %add3A_834 = arith.addf %add3A_778, %get3A_833 : vector<16xf32>
      %add3A_835 = arith.constant 41 : i32
      %add3A_836 = arith.addi %mul3A_269, %add3A_835 : i32
      %get3A_837 = arith.index_cast %add3A_836 : i32 to index
      %get3A_838 = arith.constant 0 : index
      %get3A_839 = tpu.vector_load %arg6[%get3A_837, %get3A_838] {strides = array<i32>} : memref<1664x32xf32, #tpu.memory_space<vmem>>, vector<1x16xf32>,
      %get3A_840 = vector.shape_cast %get3A_839 : vector<1x16xf32> to vector<16xf32>
      %add3A_841 = arith.addf %add3A_785, %get3A_840 : vector<16xf32>
      %add3A_842 = arith.constant 41 : i32
      %add3A_843 = arith.addi %mul3A_269, %add3A_842 : i32
      %get3A_844 = arith.index_cast %add3A_843 : i32 to index
      %get3A_845 = arith.constant 16 : index
      %get3A_846 = tpu.vector_load %arg6[%get3A_844, %get3A_845] {strides = array<i32>} : memref<1664x32xf32, #tpu.memory_space<vmem>>, vector<1x16xf32>,
      %get3A_847 = vector.shape_cast %get3A_846 : vector<1x16xf32> to vector<16xf32>
      %add3A_848 = arith.addf %add3A_792, %get3A_847 : vector<16xf32>
      %add3A_849 = arith.constant 42 : i32
      %add3A_850 = arith.addi %mul3A_269, %add3A_849 : i32
      %get3A_851 = arith.index_cast %add3A_850 : i32 to index
      %get3A_852 = arith.constant 0 : index
      %get3A_853 = tpu.vector_load %arg6[%get3A_851, %get3A_852] {strides = array<i32>} : memref<1664x32xf32, #tpu.memory_space<vmem>>, vector<1x16xf32>,
      %get3A_854 = vector.shape_cast %get3A_853 : vector<1x16xf32> to vector<16xf32>
      %add3A_855 = arith.addf %add3A_799, %get3A_854 : vector<16xf32>
      %add3A_856 = arith.constant 42 : i32
      %add3A_857 = arith.addi %mul3A_269, %add3A_856 : i32
      %get3A_858 = arith.index_cast %add3A_857 : i32 to index
      %get3A_859 = arith.constant 16 : index
      %get3A_860 = tpu.vector_load %arg6[%get3A_858, %get3A_859] {strides = array<i32>} : memref<1664x32xf32, #tpu.memory_space<vmem>>, vector<1x16xf32>,
      %get3A_861 = vector.shape_cast %get3A_860 : vector<1x16xf32> to vector<16xf32>
      %add3A_862 = arith.addf %add3A_806, %get3A_861 : vector<16xf32>
      %add3A_863 = arith.constant 43 : i32
      %add3A_864 = arith.addi %mul3A_269, %add3A_863 : i32
      %get3A_865 = arith.index_cast %add3A_864 : i32 to index
      %get3A_866 = arith.constant 0 : index
      %get3A_867 = tpu.vector_load %arg6[%get3A_865, %get3A_866] {strides = array<i32>} : memref<1664x32xf32, #tpu.memory_space<vmem>>, vector<1x16xf32>,
      %get3A_868 = vector.shape_cast %get3A_867 : vector<1x16xf32> to vector<16xf32>
      %add3A_869 = arith.addf %add3A_813, %get3A_868 : vector<16xf32>
      %add3A_870 = arith.constant 43 : i32
      %add3A_871 = arith.addi %mul3A_269, %add3A_870 : i32
      %get3A_872 = arith.index_cast %add3A_871 : i32 to index
      %get3A_873 = arith.constant 16 : index
      %get3A_874 = tpu.vector_load %arg6[%get3A_872, %get3A_873] {strides = array<i32>} : memref<1664x32xf32, #tpu.memory_space<vmem>>, vector<1x16xf32>,
      %get3A_875 = vector.shape_cast %get3A_874 : vector<1x16xf32> to vector<16xf32>
      %add3A_876 = arith.addf %add3A_820, %get3A_875 : vector<16xf32>
      %add3A_877 = arith.constant 44 : i32
      %add3A_878 = arith.addi %mul3A_269, %add3A_877 : i32
      %get3A_879 = arith.index_cast %add3A_878 : i32 to index
      %get3A_880 = arith.constant 0 : index
      %get3A_881 = tpu.vector_load %arg6[%get3A_879, %get3A_880] {strides = array<i32>} : memref<1664x32xf32, #tpu.memory_space<vmem>>, vector<1x16xf32>,
      %get3A_882 = vector.shape_cast %get3A_881 : vector<1x16xf32> to vector<16xf32>
      %add3A_883 = arith.addf %add3A_827, %get3A_882 : vector<16xf32>
      %add3A_884 = arith.constant 44 : i32
      %add3A_885 = arith.addi %mul3A_269, %add3A_884 : i32
      %get3A_886 = arith.index_cast %add3A_885 : i32 to index
      %get3A_887 = arith.constant 16 : index
      %get3A_888 = tpu.vector_load %arg6[%get3A_886, %get3A_887] {strides = array<i32>} : memref<1664x32xf32, #tpu.memory_space<vmem>>, vector<1x16xf32>,
      %get3A_889 = vector.shape_cast %get3A_888 : vector<1x16xf32> to vector<16xf32>
      %add3A_890 = arith.addf %add3A_834, %get3A_889 : vector<16xf32>
      %add3A_891 = arith.constant 45 : i32
      %add3A_892 = arith.addi %mul3A_269, %add3A_891 : i32
      %get3A_893 = arith.index_cast %add3A_892 : i32 to index
      %get3A_894 = arith.constant 0 : index
      %get3A_895 = tpu.vector_load %arg6[%get3A_893, %get3A_894] {strides = array<i32>} : memref<1664x32xf32, #tpu.memory_space<vmem>>, vector<1x16xf32>,
      %get3A_896 = vector.shape_cast %get3A_895 : vector<1x16xf32> to vector<16xf32>
      %add3A_897 = arith.addf %add3A_841, %get3A_896 : vector<16xf32>
      %add3A_898 = arith.constant 45 : i32
      %add3A_899 = arith.addi %mul3A_269, %add3A_898 : i32
      %get3A_900 = arith.index_cast %add3A_899 : i32 to index
      %get3A_901 = arith.constant 16 : index
      %get3A_902 = tpu.vector_load %arg6[%get3A_900, %get3A_901] {strides = array<i32>} : memref<1664x32xf32, #tpu.memory_space<vmem>>, vector<1x16xf32>,
      %get3A_903 = vector.shape_cast %get3A_902 : vector<1x16xf32> to vector<16xf32>
      %add3A_904 = arith.addf %add3A_848, %get3A_903 : vector<16xf32>
      %add3A_905 = arith.constant 46 : i32
      %add3A_906 = arith.addi %mul3A_269, %add3A_905 : i32
      %get3A_907 = arith.index_cast %add3A_906 : i32 to index
      %get3A_908 = arith.constant 0 : index
      %get3A_909 = tpu.vector_load %arg6[%get3A_907, %get3A_908] {strides = array<i32>} : memref<1664x32xf32, #tpu.memory_space<vmem>>, vector<1x16xf32>,
      %get3A_910 = vector.shape_cast %get3A_909 : vector<1x16xf32> to vector<16xf32>
      %add3A_911 = arith.addf %add3A_855, %get3A_910 : vector<16xf32>
      %add3A_912 = arith.constant 46 : i32
      %add3A_913 = arith.addi %mul3A_269, %add3A_912 : i32
      %get3A_914 = arith.index_cast %add3A_913 : i32 to index
      %get3A_915 = arith.constant 16 : index
      %get3A_916 = tpu.vector_load %arg6[%get3A_914, %get3A_915] {strides = array<i32>} : memref<1664x32xf32, #tpu.memory_space<vmem>>, vector<1x16xf32>,
      %get3A_917 = vector.shape_cast %get3A_916 : vector<1x16xf32> to vector<16xf32>
      %add3A_918 = arith.addf %add3A_862, %get3A_917 : vector<16xf32>
      %add3A_919 = arith.constant 47 : i32
      %add3A_920 = arith.addi %mul3A_269, %add3A_919 : i32
      %get3A_921 = arith.index_cast %add3A_920 : i32 to index
      %get3A_922 = arith.constant 0 : index
      %get3A_923 = tpu.vector_load %arg6[%get3A_921, %get3A_922] {strides = array<i32>} : memref<1664x32xf32, #tpu.memory_space<vmem>>, vector<1x16xf32>,
      %get3A_924 = vector.shape_cast %get3A_923 : vector<1x16xf32> to vector<16xf32>
      %add3A_925 = arith.addf %add3A_869, %get3A_924 : vector<16xf32>
      %add3A_926 = arith.constant 47 : i32
      %add3A_927 = arith.addi %mul3A_269, %add3A_926 : i32
      %get3A_928 = arith.index_cast %add3A_927 : i32 to index
      %get3A_929 = arith.constant 16 : index
      %get3A_930 = tpu.vector_load %arg6[%get3A_928, %get3A_929] {strides = array<i32>} : memref<1664x32xf32, #tpu.memory_space<vmem>>, vector<1x16xf32>,
      %get3A_931 = vector.shape_cast %get3A_930 : vector<1x16xf32> to vector<16xf32>
      %add3A_932 = arith.addf %add3A_876, %get3A_931 : vector<16xf32>
      %add3A_933 = arith.constant 48 : i32
      %add3A_934 = arith.addi %mul3A_269, %add3A_933 : i32
      %get3A_935 = arith.index_cast %add3A_934 : i32 to index
      %get3A_936 = arith.constant 0 : index
      %get3A_937 = tpu.vector_load %arg6[%get3A_935, %get3A_936] {strides = array<i32>} : memref<1664x32xf32, #tpu.memory_space<vmem>>, vector<1x16xf32>,
      %get3A_938 = vector.shape_cast %get3A_937 : vector<1x16xf32> to vector<16xf32>
      %add3A_939 = arith.addf %add3A_883, %get3A_938 : vector<16xf32>
      %add3A_940 = arith.constant 48 : i32
      %add3A_941 = arith.addi %mul3A_269, %add3A_940 : i32
      %get3A_942 = arith.index_cast %add3A_941 : i32 to index
      %get3A_943 = arith.constant 16 : index
      %get3A_944 = tpu.vector_load %arg6[%get3A_942, %get3A_943] {strides = array<i32>} : memref<1664x32xf32, #tpu.memory_space<vmem>>, vector<1x16xf32>,
      %get3A_945 = vector.shape_cast %get3A_944 : vector<1x16xf32> to vector<16xf32>
      %add3A_946 = arith.addf %add3A_890, %get3A_945 : vector<16xf32>
      %add3A_947 = arith.constant 49 : i32
      %add3A_948 = arith.addi %mul3A_269, %add3A_947 : i32
      %get3A_949 = arith.index_cast %add3A_948 : i32 to index
      %get3A_950 = arith.constant 0 : index
      %get3A_951 = tpu.vector_load %arg6[%get3A_949, %get3A_950] {strides = array<i32>} : memref<1664x32xf32, #tpu.memory_space<vmem>>, vector<1x16xf32>,
      %get3A_952 = vector.shape_cast %get3A_951 : vector<1x16xf32> to vector<16xf32>
      %add3A_953 = arith.addf %add3A_897, %get3A_952 : vector<16xf32>
      %add3A_954 = arith.constant 49 : i32
      %add3A_955 = arith.addi %mul3A_269, %add3A_954 : i32
      %get3A_956 = arith.index_cast %add3A_955 : i32 to index
      %get3A_957 = arith.constant 16 : index
      %get3A_958 = tpu.vector_load %arg6[%get3A_956, %get3A_957] {strides = array<i32>} : memref<1664x32xf32, #tpu.memory_space<vmem>>, vector<1x16xf32>,
      %get3A_959 = vector.shape_cast %get3A_958 : vector<1x16xf32> to vector<16xf32>
      %add3A_960 = arith.addf %add3A_904, %get3A_959 : vector<16xf32>
      %add3A_961 = arith.addf %add3A_939, %add3A_953 : vector<16xf32>
      %add3A_962 = arith.addf %add3A_911, %add3A_925 : vector<16xf32>
      %add3A_963 = arith.addf %add3A_961, %add3A_962 : vector<16xf32>
      %add3A_964 = arith.addf %add3A_946, %add3A_960 : vector<16xf32>
      %add3A_965 = arith.addf %add3A_918, %add3A_932 : vector<16xf32>
      %add3A_966 = arith.addf %add3A_964, %add3A_965 : vector<16xf32>
      %mul3A_967 = vector.broadcast %scan3A_259 : f32 to vector<16xf32>
      %mul3A_968 = arith.mulf %add3A_963, %mul3A_967 : vector<16xf32>
      %swap3A = arith.index_cast %scan3A_267 : i32 to index
      %swap3A_969 = arith.constant 0 : index
      %swap3A_970 = tpu.vector_load %arg7[%swap3A, %swap3A_969] {strides = array<i32>} : memref<32x32xf32, #tpu.memory_space<vmem>>, vector<1x16xf32>,
      %swap3A_971 = vector.shape_cast %swap3A_970 : vector<1x16xf32> to vector<16xf32>
      %swap3A_972 = vector.shape_cast %mul3A_968 : vector<16xf32> to vector<1x16xf32>
      tpu.vector_store %arg7[%swap3A, %swap3A_969], %swap3A_972 {strides = array<i32>} : memref<32x32xf32, #tpu.memory_space<vmem>>, vector<1x16xf32>,
      %mul3A_973 = vector.broadcast %scan3A_259 : f32 to vector<16xf32>
      %mul3A_974 = arith.mulf %add3A_966, %mul3A_973 : vector<16xf32>
      %swap3A_975 = arith.index_cast %scan3A_267 : i32 to index
      %swap3A_976 = arith.constant 16 : index
      %swap3A_977 = tpu.vector_load %arg7[%swap3A_975, %swap3A_976] {strides = array<i32>} : memref<32x32xf32, #tpu.memory_space<vmem>>, vector<1x16xf32>,
      %swap3A_978 = vector.shape_cast %swap3A_977 : vector<1x16xf32> to vector<16xf32>
      %swap3A_979 = vector.shape_cast %mul3A_974 : vector<16xf32> to vector<1x16xf32>
      tpu.vector_store %arg7[%swap3A_975, %swap3A_976], %swap3A_979 {strides = array<i32>} : memref<32x32xf32, #tpu.memory_space<vmem>>, vector<1x16xf32>,
    }
    %scan3A_264 = arith.constant 32 : i32
    %mul3A_265 = arith.constant 32 : i32
    %mul3A_266 = arith.muli %add3A, %mul3A_265 : i32
    "tpu.region"() ({
      %run_scoped3A = tpu.sem_alloc : memref<!tpu.dma_semaphore, #tpu.memory_space<semaphore_mem>>
      %dma_start3A_267 = arith.constant 0 : i32
      %dma_start3A_268 = tpu.memref_slice %arg4[%mul3A_266, %dma_start3A_267] : memref<1024x32xf32, #tpu.memory_space<hbm>> -> memref<32x32xf32, #tpu.memory_space<hbm>>
      %dma_start3A_269 = arith.constant 0 : i32
      %dma_start3A_270 = tpu.memref_slice %arg4[%mul3A_266, %dma_start3A_269] : memref<1024x32xf32, #tpu.memory_space<hbm>> -> memref<32x32xf32, #tpu.memory_space<hbm>>
      tpu.enqueue_dma source(%arg7 : memref<32x32xf32, #tpu.memory_space<vmem>>) target(%dma_start3A_270 : memref<32x32xf32, #tpu.memory_space<hbm>>) target_semaphore(%run_scoped3A : memref<!tpu.dma_semaphore, #tpu.memory_space<semaphore_mem>>)
      %dma_wait3A_271 = arith.constant 0 : i32
      %dma_wait3A_272 = tpu.memref_slice %arg4[%mul3A_266, %dma_wait3A_271] : memref<1024x32xf32, #tpu.memory_space<hbm>> -> memref<32x32xf32, #tpu.memory_space<hbm>>
      %dma_wait3A_273 = arith.constant 0 : i32
      %dma_wait3A_274 = tpu.memref_slice %arg4[%mul3A_266, %dma_wait3A_273] : memref<1024x32xf32, #tpu.memory_space<hbm>> -> memref<32x32xf32, #tpu.memory_space<hbm>>
      tpu.wait_dma2 semaphore(%run_scoped3A : memref<!tpu.dma_semaphore, #tpu.memory_space<semaphore_mem>>) src(%arg7 : memref<32x32xf32, #tpu.memory_space<vmem>>) dst(%dma_wait3A_274 : memref<32x32xf32, #tpu.memory_space<hbm>>)
      tpu.yield
    }) : () -> ()
    return
  }
}

module attributes {stable_mosaic.version = 14 : i64} {
  func.func @_proj_body(%arg0: i32, %arg1: memref<32x32xf32, #tpu.memory_space<vmem>>, %arg2: memref<32x100000xf32, #tpu.memory_space<vmem>>, %arg3: memref<1x100000xf32, #tpu.memory_space<vmem>>, %arg4: memref<1024x100000xbf16, #tpu.memory_space<any>>, %arg5: memref<2x32x100000xbf16, #tpu.memory_space<vmem>>, %arg6: memref<4x2x!tpu.dma_semaphore, #tpu.memory_space<semaphore_mem>>) attributes {dimension_semantics = [#tpu.dimension_semantics<arbitrary>], iteration_bounds = array<i64: 32>, scalar_prefetch = 0 : i64, scratch_operands = 2 : i64, tpu.core_type = #tpu.core_type<tc>, window_params = [{transform_indices = @transform_0, window_bounds = array<i64: 32, 32>}, {pipeline_mode = #tpu.pipeline_mode<synchronous>, transform_indices = @transform_1, window_bounds = array<i64: 32, 100000>}, {pipeline_mode = #tpu.pipeline_mode<synchronous>, transform_indices = @transform_2, window_bounds = array<i64: 1, 100000>}, {}]} {
    %rem3A = arith.constant 2 : i32
    %rem3A_0 = arith.remsi %arg0, %rem3A : i32
    %ge3A = arith.constant 2 : i32
    %ge3A_1 = arith.cmpi sge, %arg0, %ge3A : i32
    %convert_element_type3A = arith.extui %ge3A_1 : i1 to i32
    %cond3A = arith.constant 0 : i32
    %cond3A_2 = arith.cmpi ne, %convert_element_type3A, %cond3A : i32
    scf.if %cond3A_2 {
      %sub3A = arith.constant 2 : i32
      %sub3A_73 = arith.subi %arg0, %sub3A : i32
      %mul3A_74 = arith.constant 32 : i32
      %mul3A_75 = arith.muli %sub3A_73, %mul3A_74 : i32
      %add3A_76 = arith.constant 0 : i32
      %add3A_77 = arith.addi %mul3A_75, %add3A_76 : i32
      %dma_wait3A = arith.constant 0 : i32
      %dma_wait3A_78 = tpu.memref_slice %arg6[%dma_wait3A, %rem3A_0] : memref<4x2x!tpu.dma_semaphore, #tpu.memory_space<semaphore_mem>> -> memref<1x1x!tpu.dma_semaphore, #tpu.memory_space<semaphore_mem>>
      %dma_wait3A_79 = tpu.memref_squeeze %dma_wait3A_78 : memref<1x1x!tpu.dma_semaphore, #tpu.memory_space<semaphore_mem>> -> memref<!tpu.dma_semaphore, #tpu.memory_space<semaphore_mem>>
      %dma_wait3A_80 = arith.constant 0 : i32
      %dma_wait3A_81 = tpu.memref_slice %arg4[%add3A_77, %dma_wait3A_80] : memref<1024x100000xbf16, #tpu.memory_space<any>> -> memref<8x100000xbf16, #tpu.memory_space<any>>
      %dma_wait3A_82 = arith.constant 0 : i32
      %dma_wait3A_83 = arith.constant 0 : i32
      %dma_wait3A_84 = tpu.memref_slice %arg5[%rem3A_0, %dma_wait3A_82, %dma_wait3A_83] : memref<2x32x100000xbf16, #tpu.memory_space<vmem>> -> memref<1x8x100000xbf16, #tpu.memory_space<vmem>>
      %dma_wait3A_85 = tpu.memref_squeeze %dma_wait3A_84 : memref<1x8x100000xbf16, #tpu.memory_space<vmem>> -> memref<8x100000xbf16, #tpu.memory_space<vmem>>
      tpu.wait_dma2 semaphore(%dma_wait3A_79 : memref<!tpu.dma_semaphore, #tpu.memory_space<semaphore_mem>>) src(%dma_wait3A_85 : memref<8x100000xbf16, #tpu.memory_space<vmem>>) dst(%dma_wait3A_81 : memref<8x100000xbf16, #tpu.memory_space<any>>)
      %sub3A_86 = arith.constant 2 : i32
      %sub3A_87 = arith.subi %arg0, %sub3A_86 : i32
      %mul3A_88 = arith.constant 32 : i32
      %mul3A_89 = arith.muli %sub3A_87, %mul3A_88 : i32
      %add3A_90 = arith.constant 8 : i32
      %add3A_91 = arith.addi %mul3A_89, %add3A_90 : i32
      %dma_wait3A_92 = arith.constant 1 : i32
      %dma_wait3A_93 = tpu.memref_slice %arg6[%dma_wait3A_92, %rem3A_0] : memref<4x2x!tpu.dma_semaphore, #tpu.memory_space<semaphore_mem>> -> memref<1x1x!tpu.dma_semaphore, #tpu.memory_space<semaphore_mem>>
      %dma_wait3A_94 = tpu.memref_squeeze %dma_wait3A_93 : memref<1x1x!tpu.dma_semaphore, #tpu.memory_space<semaphore_mem>> -> memref<!tpu.dma_semaphore, #tpu.memory_space<semaphore_mem>>
      %dma_wait3A_95 = arith.constant 0 : i32
      %dma_wait3A_96 = tpu.memref_slice %arg4[%add3A_91, %dma_wait3A_95] : memref<1024x100000xbf16, #tpu.memory_space<any>> -> memref<8x100000xbf16, #tpu.memory_space<any>>
      %dma_wait3A_97 = arith.constant 8 : i32
      %dma_wait3A_98 = arith.constant 0 : i32
      %dma_wait3A_99 = tpu.memref_slice %arg5[%rem3A_0, %dma_wait3A_97, %dma_wait3A_98] : memref<2x32x100000xbf16, #tpu.memory_space<vmem>> -> memref<1x8x100000xbf16, #tpu.memory_space<vmem>>
      %dma_wait3A_100 = tpu.memref_squeeze %dma_wait3A_99 : memref<1x8x100000xbf16, #tpu.memory_space<vmem>> -> memref<8x100000xbf16, #tpu.memory_space<vmem>>
      tpu.wait_dma2 semaphore(%dma_wait3A_94 : memref<!tpu.dma_semaphore, #tpu.memory_space<semaphore_mem>>) src(%dma_wait3A_100 : memref<8x100000xbf16, #tpu.memory_space<vmem>>) dst(%dma_wait3A_96 : memref<8x100000xbf16, #tpu.memory_space<any>>)
      %sub3A_101 = arith.constant 2 : i32
      %sub3A_102 = arith.subi %arg0, %sub3A_101 : i32
      %mul3A_103 = arith.constant 32 : i32
      %mul3A_104 = arith.muli %sub3A_102, %mul3A_103 : i32
      %add3A_105 = arith.constant 16 : i32
      %add3A_106 = arith.addi %mul3A_104, %add3A_105 : i32
      %dma_wait3A_107 = arith.constant 2 : i32
      %dma_wait3A_108 = tpu.memref_slice %arg6[%dma_wait3A_107, %rem3A_0] : memref<4x2x!tpu.dma_semaphore, #tpu.memory_space<semaphore_mem>> -> memref<1x1x!tpu.dma_semaphore, #tpu.memory_space<semaphore_mem>>
      %dma_wait3A_109 = tpu.memref_squeeze %dma_wait3A_108 : memref<1x1x!tpu.dma_semaphore, #tpu.memory_space<semaphore_mem>> -> memref<!tpu.dma_semaphore, #tpu.memory_space<semaphore_mem>>
      %dma_wait3A_110 = arith.constant 0 : i32
      %dma_wait3A_111 = tpu.memref_slice %arg4[%add3A_106, %dma_wait3A_110] : memref<1024x100000xbf16, #tpu.memory_space<any>> -> memref<8x100000xbf16, #tpu.memory_space<any>>
      %dma_wait3A_112 = arith.constant 16 : i32
      %dma_wait3A_113 = arith.constant 0 : i32
      %dma_wait3A_114 = tpu.memref_slice %arg5[%rem3A_0, %dma_wait3A_112, %dma_wait3A_113] : memref<2x32x100000xbf16, #tpu.memory_space<vmem>> -> memref<1x8x100000xbf16, #tpu.memory_space<vmem>>
      %dma_wait3A_115 = tpu.memref_squeeze %dma_wait3A_114 : memref<1x8x100000xbf16, #tpu.memory_space<vmem>> -> memref<8x100000xbf16, #tpu.memory_space<vmem>>
      tpu.wait_dma2 semaphore(%dma_wait3A_109 : memref<!tpu.dma_semaphore, #tpu.memory_space<semaphore_mem>>) src(%dma_wait3A_115 : memref<8x100000xbf16, #tpu.memory_space<vmem>>) dst(%dma_wait3A_111 : memref<8x100000xbf16, #tpu.memory_space<any>>)
      %sub3A_116 = arith.constant 2 : i32
      %sub3A_117 = arith.subi %arg0, %sub3A_116 : i32
      %mul3A_118 = arith.constant 32 : i32
      %mul3A_119 = arith.muli %sub3A_117, %mul3A_118 : i32
      %add3A_120 = arith.constant 24 : i32
      %add3A_121 = arith.addi %mul3A_119, %add3A_120 : i32
      %dma_wait3A_122 = arith.constant 3 : i32
      %dma_wait3A_123 = tpu.memref_slice %arg6[%dma_wait3A_122, %rem3A_0] : memref<4x2x!tpu.dma_semaphore, #tpu.memory_space<semaphore_mem>> -> memref<1x1x!tpu.dma_semaphore, #tpu.memory_space<semaphore_mem>>
      %dma_wait3A_124 = tpu.memref_squeeze %dma_wait3A_123 : memref<1x1x!tpu.dma_semaphore, #tpu.memory_space<semaphore_mem>> -> memref<!tpu.dma_semaphore, #tpu.memory_space<semaphore_mem>>
      %dma_wait3A_125 = arith.constant 0 : i32
      %dma_wait3A_126 = tpu.memref_slice %arg4[%add3A_121, %dma_wait3A_125] : memref<1024x100000xbf16, #tpu.memory_space<any>> -> memref<8x100000xbf16, #tpu.memory_space<any>>
      %dma_wait3A_127 = arith.constant 24 : i32
      %dma_wait3A_128 = arith.constant 0 : i32
      %dma_wait3A_129 = tpu.memref_slice %arg5[%rem3A_0, %dma_wait3A_127, %dma_wait3A_128] : memref<2x32x100000xbf16, #tpu.memory_space<vmem>> -> memref<1x8x100000xbf16, #tpu.memory_space<vmem>>
      %dma_wait3A_130 = tpu.memref_squeeze %dma_wait3A_129 : memref<1x8x100000xbf16, #tpu.memory_space<vmem>> -> memref<8x100000xbf16, #tpu.memory_space<vmem>>
      tpu.wait_dma2 semaphore(%dma_wait3A_124 : memref<!tpu.dma_semaphore, #tpu.memory_space<semaphore_mem>>) src(%dma_wait3A_130 : memref<8x100000xbf16, #tpu.memory_space<vmem>>) dst(%dma_wait3A_126 : memref<8x100000xbf16, #tpu.memory_space<any>>)
    } else {
    }
    %get3A = arith.constant 0 : index
    %get3A_3 = arith.constant 0 : index
    %get3A_4 = vector.load %arg1[%get3A, %get3A_3] : memref<32x32xf32, #tpu.memory_space<vmem>>, vector<32x32xf32>
    %get3A_5 = arith.constant 0 : index
    %get3A_6 = arith.constant 0 : index
    %get3A_7 = vector.load %arg2[%get3A_5, %get3A_6] : memref<32x100000xf32, #tpu.memory_space<vmem>>, vector<32x100000xf32>
    %dot_general3A = arith.constant dense<0.000000e+00> : vector<32x100000xf32>
    %dot_general3A_8 = tpu.matmul %get3A_4, %get3A_7, %dot_general3A {dimension_numbers = #tpu.dot_dimension_numbers<[1], [0], [0], [1], [0, 0, 1, 1], [], []>, transpose_lhs_hint = false} : vector<32x32xf32>, vector<32x100000xf32>, vector<32x100000xf32> -> vector<32x100000xf32>
    %get3A_9 = arith.constant 0 : index
    %get3A_10 = arith.constant 0 : index
    %get3A_11 = vector.load %arg3[%get3A_9, %get3A_10] : memref<1x100000xf32, #tpu.memory_space<vmem>>, vector<1x100000xf32>
    %add3A = vector.broadcast %get3A_11 : vector<1x100000xf32> to vector<32x100000xf32>
    %add3A_12 = arith.addf %dot_general3A_8, %add3A : vector<32x100000xf32>
    %convert_element_type3A_13 = arith.truncf %add3A_12 : vector<32x100000xf32> to vector<32x100000xbf16>
    %swap3A = arith.index_cast %rem3A_0 : i32 to index
    %swap3A_14 = arith.constant 0 : index
    %swap3A_15 = arith.constant 0 : index
    %swap3A_16 = vector.load %arg5[%swap3A, %swap3A_14, %swap3A_15] : memref<2x32x100000xbf16, #tpu.memory_space<vmem>>, vector<1x32x100000xbf16>
    %swap3A_17 = vector.shape_cast %swap3A_16 : vector<1x32x100000xbf16> to vector<32x100000xbf16>
    %swap3A_18 = vector.shape_cast %convert_element_type3A_13 : vector<32x100000xbf16> to vector<1x32x100000xbf16>
    tpu.vector_store %arg5[%swap3A, %swap3A_14, %swap3A_15], %swap3A_18 {strides = array<i32>} : memref<2x32x100000xbf16, #tpu.memory_space<vmem>>, vector<1x32x100000xbf16>,
    %mul3A = arith.constant 32 : i32
    %mul3A_19 = arith.muli %arg0, %mul3A : i32
    %add3A_20 = arith.constant 0 : i32
    %add3A_21 = arith.addi %mul3A_19, %add3A_20 : i32
    %dma_start3A = arith.constant 0 : i32
    %dma_start3A_22 = tpu.memref_slice %arg6[%dma_start3A, %rem3A_0] : memref<4x2x!tpu.dma_semaphore, #tpu.memory_space<semaphore_mem>> -> memref<1x1x!tpu.dma_semaphore, #tpu.memory_space<semaphore_mem>>
    %dma_start3A_23 = tpu.memref_squeeze %dma_start3A_22 : memref<1x1x!tpu.dma_semaphore, #tpu.memory_space<semaphore_mem>> -> memref<!tpu.dma_semaphore, #tpu.memory_space<semaphore_mem>>
    %dma_start3A_24 = arith.constant 0 : i32
    %dma_start3A_25 = tpu.memref_slice %arg4[%add3A_21, %dma_start3A_24] : memref<1024x100000xbf16, #tpu.memory_space<any>> -> memref<8x100000xbf16, #tpu.memory_space<any>>
    %dma_start3A_26 = arith.constant 0 : i32
    %dma_start3A_27 = arith.constant 0 : i32
    %dma_start3A_28 = tpu.memref_slice %arg5[%rem3A_0, %dma_start3A_26, %dma_start3A_27] : memref<2x32x100000xbf16, #tpu.memory_space<vmem>> -> memref<1x8x100000xbf16, #tpu.memory_space<vmem>>
    %dma_start3A_29 = tpu.memref_squeeze %dma_start3A_28 : memref<1x8x100000xbf16, #tpu.memory_space<vmem>> -> memref<8x100000xbf16, #tpu.memory_space<vmem>>
    tpu.enqueue_dma source(%dma_start3A_29 : memref<8x100000xbf16, #tpu.memory_space<vmem>>) target(%dma_start3A_25 : memref<8x100000xbf16, #tpu.memory_space<any>>) target_semaphore(%dma_start3A_23 : memref<!tpu.dma_semaphore, #tpu.memory_space<semaphore_mem>>)
    %mul3A_30 = arith.constant 32 : i32
    %mul3A_31 = arith.muli %arg0, %mul3A_30 : i32
    %add3A_32 = arith.constant 8 : i32
    %add3A_33 = arith.addi %mul3A_31, %add3A_32 : i32
    %dma_start3A_34 = arith.constant 1 : i32
    %dma_start3A_35 = tpu.memref_slice %arg6[%dma_start3A_34, %rem3A_0] : memref<4x2x!tpu.dma_semaphore, #tpu.memory_space<semaphore_mem>> -> memref<1x1x!tpu.dma_semaphore, #tpu.memory_space<semaphore_mem>>
    %dma_start3A_36 = tpu.memref_squeeze %dma_start3A_35 : memref<1x1x!tpu.dma_semaphore, #tpu.memory_space<semaphore_mem>> -> memref<!tpu.dma_semaphore, #tpu.memory_space<semaphore_mem>>
    %dma_start3A_37 = arith.constant 0 : i32
    %dma_start3A_38 = tpu.memref_slice %arg4[%add3A_33, %dma_start3A_37] : memref<1024x100000xbf16, #tpu.memory_space<any>> -> memref<8x100000xbf16, #tpu.memory_space<any>>
    %dma_start3A_39 = arith.constant 8 : i32
    %dma_start3A_40 = arith.constant 0 : i32
    %dma_start3A_41 = tpu.memref_slice %arg5[%rem3A_0, %dma_start3A_39, %dma_start3A_40] : memref<2x32x100000xbf16, #tpu.memory_space<vmem>> -> memref<1x8x100000xbf16, #tpu.memory_space<vmem>>
    %dma_start3A_42 = tpu.memref_squeeze %dma_start3A_41 : memref<1x8x100000xbf16, #tpu.memory_space<vmem>> -> memref<8x100000xbf16, #tpu.memory_space<vmem>>
    tpu.enqueue_dma source(%dma_start3A_42 : memref<8x100000xbf16, #tpu.memory_space<vmem>>) target(%dma_start3A_38 : memref<8x100000xbf16, #tpu.memory_space<any>>) target_semaphore(%dma_start3A_36 : memref<!tpu.dma_semaphore, #tpu.memory_space<semaphore_mem>>)
    %mul3A_43 = arith.constant 32 : i32
    %mul3A_44 = arith.muli %arg0, %mul3A_43 : i32
    %add3A_45 = arith.constant 16 : i32
    %add3A_46 = arith.addi %mul3A_44, %add3A_45 : i32
    %dma_start3A_47 = arith.constant 2 : i32
    %dma_start3A_48 = tpu.memref_slice %arg6[%dma_start3A_47, %rem3A_0] : memref<4x2x!tpu.dma_semaphore, #tpu.memory_space<semaphore_mem>> -> memref<1x1x!tpu.dma_semaphore, #tpu.memory_space<semaphore_mem>>
    %dma_start3A_49 = tpu.memref_squeeze %dma_start3A_48 : memref<1x1x!tpu.dma_semaphore, #tpu.memory_space<semaphore_mem>> -> memref<!tpu.dma_semaphore, #tpu.memory_space<semaphore_mem>>
    %dma_start3A_50 = arith.constant 0 : i32
    %dma_start3A_51 = tpu.memref_slice %arg4[%add3A_46, %dma_start3A_50] : memref<1024x100000xbf16, #tpu.memory_space<any>> -> memref<8x100000xbf16, #tpu.memory_space<any>>
    %dma_start3A_52 = arith.constant 16 : i32
    %dma_start3A_53 = arith.constant 0 : i32
    %dma_start3A_54 = tpu.memref_slice %arg5[%rem3A_0, %dma_start3A_52, %dma_start3A_53] : memref<2x32x100000xbf16, #tpu.memory_space<vmem>> -> memref<1x8x100000xbf16, #tpu.memory_space<vmem>>
    %dma_start3A_55 = tpu.memref_squeeze %dma_start3A_54 : memref<1x8x100000xbf16, #tpu.memory_space<vmem>> -> memref<8x100000xbf16, #tpu.memory_space<vmem>>
    tpu.enqueue_dma source(%dma_start3A_55 : memref<8x100000xbf16, #tpu.memory_space<vmem>>) target(%dma_start3A_51 : memref<8x100000xbf16, #tpu.memory_space<any>>) target_semaphore(%dma_start3A_49 : memref<!tpu.dma_semaphore, #tpu.memory_space<semaphore_mem>>)
    %mul3A_56 = arith.constant 32 : i32
    %mul3A_57 = arith.muli %arg0, %mul3A_56 : i32
    %add3A_58 = arith.constant 24 : i32
    %add3A_59 = arith.addi %mul3A_57, %add3A_58 : i32
    %dma_start3A_60 = arith.constant 3 : i32
    %dma_start3A_61 = tpu.memref_slice %arg6[%dma_start3A_60, %rem3A_0] : memref<4x2x!tpu.dma_semaphore, #tpu.memory_space<semaphore_mem>> -> memref<1x1x!tpu.dma_semaphore, #tpu.memory_space<semaphore_mem>>
    %dma_start3A_62 = tpu.memref_squeeze %dma_start3A_61 : memref<1x1x!tpu.dma_semaphore, #tpu.memory_space<semaphore_mem>> -> memref<!tpu.dma_semaphore, #tpu.memory_space<semaphore_mem>>
    %dma_start3A_63 = arith.constant 0 : i32
    %dma_start3A_64 = tpu.memref_slice %arg4[%add3A_59, %dma_start3A_63] : memref<1024x100000xbf16, #tpu.memory_space<any>> -> memref<8x100000xbf16, #tpu.memory_space<any>>
    %dma_start3A_65 = arith.constant 24 : i32
    %dma_start3A_66 = arith.constant 0 : i32
    %dma_start3A_67 = tpu.memref_slice %arg5[%rem3A_0, %dma_start3A_65, %dma_start3A_66] : memref<2x32x100000xbf16, #tpu.memory_space<vmem>> -> memref<1x8x100000xbf16, #tpu.memory_space<vmem>>
    %dma_start3A_68 = tpu.memref_squeeze %dma_start3A_67 : memref<1x8x100000xbf16, #tpu.memory_space<vmem>> -> memref<8x100000xbf16, #tpu.memory_space<vmem>>
    tpu.enqueue_dma source(%dma_start3A_68 : memref<8x100000xbf16, #tpu.memory_space<vmem>>) target(%dma_start3A_64 : memref<8x100000xbf16, #tpu.memory_space<any>>) target_semaphore(%dma_start3A_62 : memref<!tpu.dma_semaphore, #tpu.memory_space<semaphore_mem>>)
    %eq3A = arith.constant 31 : i32
    %eq3A_69 = arith.cmpi eq, %arg0, %eq3A : i32
    %convert_element_type3A_70 = arith.extui %eq3A_69 : i1 to i32
    %cond3A_71 = arith.constant 0 : i32
    %cond3A_72 = arith.cmpi ne, %convert_element_type3A_70, %cond3A_71 : i32
    scf.if %cond3A_72 {
      %dma_wait3A = arith.constant 0 : i32
      %dma_wait3A_73 = arith.constant 0 : i32
      %dma_wait3A_74 = arith.constant 0 : i32
      %dma_wait3A_75 = tpu.memref_slice %arg6[%dma_wait3A_73, %dma_wait3A_74] : memref<4x2x!tpu.dma_semaphore, #tpu.memory_space<semaphore_mem>> -> memref<1x1x!tpu.dma_semaphore, #tpu.memory_space<semaphore_mem>>
      %dma_wait3A_76 = tpu.memref_squeeze %dma_wait3A_75 : memref<1x1x!tpu.dma_semaphore, #tpu.memory_space<semaphore_mem>> -> memref<!tpu.dma_semaphore, #tpu.memory_space<semaphore_mem>>
      %dma_wait3A_77 = arith.constant 960 : i32
      %dma_wait3A_78 = arith.constant 0 : i32
      %dma_wait3A_79 = tpu.memref_slice %arg4[%dma_wait3A_77, %dma_wait3A_78] : memref<1024x100000xbf16, #tpu.memory_space<any>> -> memref<8x100000xbf16, #tpu.memory_space<any>>
      %dma_wait3A_80 = arith.constant 0 : i32
      %dma_wait3A_81 = arith.constant 0 : i32
      %dma_wait3A_82 = tpu.memref_slice %arg5[%dma_wait3A, %dma_wait3A_80, %dma_wait3A_81] : memref<2x32x100000xbf16, #tpu.memory_space<vmem>> -> memref<1x8x100000xbf16, #tpu.memory_space<vmem>>
      %dma_wait3A_83 = tpu.memref_squeeze %dma_wait3A_82 : memref<1x8x100000xbf16, #tpu.memory_space<vmem>> -> memref<8x100000xbf16, #tpu.memory_space<vmem>>
      tpu.wait_dma2 semaphore(%dma_wait3A_76 : memref<!tpu.dma_semaphore, #tpu.memory_space<semaphore_mem>>) src(%dma_wait3A_83 : memref<8x100000xbf16, #tpu.memory_space<vmem>>) dst(%dma_wait3A_79 : memref<8x100000xbf16, #tpu.memory_space<any>>)
      %dma_wait3A_84 = arith.constant 0 : i32
      %dma_wait3A_85 = arith.constant 1 : i32
      %dma_wait3A_86 = arith.constant 0 : i32
      %dma_wait3A_87 = tpu.memref_slice %arg6[%dma_wait3A_85, %dma_wait3A_86] : memref<4x2x!tpu.dma_semaphore, #tpu.memory_space<semaphore_mem>> -> memref<1x1x!tpu.dma_semaphore, #tpu.memory_space<semaphore_mem>>
      %dma_wait3A_88 = tpu.memref_squeeze %dma_wait3A_87 : memref<1x1x!tpu.dma_semaphore, #tpu.memory_space<semaphore_mem>> -> memref<!tpu.dma_semaphore, #tpu.memory_space<semaphore_mem>>
      %dma_wait3A_89 = arith.constant 968 : i32
      %dma_wait3A_90 = arith.constant 0 : i32
      %dma_wait3A_91 = tpu.memref_slice %arg4[%dma_wait3A_89, %dma_wait3A_90] : memref<1024x100000xbf16, #tpu.memory_space<any>> -> memref<8x100000xbf16, #tpu.memory_space<any>>
      %dma_wait3A_92 = arith.constant 8 : i32
      %dma_wait3A_93 = arith.constant 0 : i32
      %dma_wait3A_94 = tpu.memref_slice %arg5[%dma_wait3A_84, %dma_wait3A_92, %dma_wait3A_93] : memref<2x32x100000xbf16, #tpu.memory_space<vmem>> -> memref<1x8x100000xbf16, #tpu.memory_space<vmem>>
      %dma_wait3A_95 = tpu.memref_squeeze %dma_wait3A_94 : memref<1x8x100000xbf16, #tpu.memory_space<vmem>> -> memref<8x100000xbf16, #tpu.memory_space<vmem>>
      tpu.wait_dma2 semaphore(%dma_wait3A_88 : memref<!tpu.dma_semaphore, #tpu.memory_space<semaphore_mem>>) src(%dma_wait3A_95 : memref<8x100000xbf16, #tpu.memory_space<vmem>>) dst(%dma_wait3A_91 : memref<8x100000xbf16, #tpu.memory_space<any>>)
      %dma_wait3A_96 = arith.constant 0 : i32
      %dma_wait3A_97 = arith.constant 2 : i32
      %dma_wait3A_98 = arith.constant 0 : i32
      %dma_wait3A_99 = tpu.memref_slice %arg6[%dma_wait3A_97, %dma_wait3A_98] : memref<4x2x!tpu.dma_semaphore, #tpu.memory_space<semaphore_mem>> -> memref<1x1x!tpu.dma_semaphore, #tpu.memory_space<semaphore_mem>>
      %dma_wait3A_100 = tpu.memref_squeeze %dma_wait3A_99 : memref<1x1x!tpu.dma_semaphore, #tpu.memory_space<semaphore_mem>> -> memref<!tpu.dma_semaphore, #tpu.memory_space<semaphore_mem>>
      %dma_wait3A_101 = arith.constant 976 : i32
      %dma_wait3A_102 = arith.constant 0 : i32
      %dma_wait3A_103 = tpu.memref_slice %arg4[%dma_wait3A_101, %dma_wait3A_102] : memref<1024x100000xbf16, #tpu.memory_space<any>> -> memref<8x100000xbf16, #tpu.memory_space<any>>
      %dma_wait3A_104 = arith.constant 16 : i32
      %dma_wait3A_105 = arith.constant 0 : i32
      %dma_wait3A_106 = tpu.memref_slice %arg5[%dma_wait3A_96, %dma_wait3A_104, %dma_wait3A_105] : memref<2x32x100000xbf16, #tpu.memory_space<vmem>> -> memref<1x8x100000xbf16, #tpu.memory_space<vmem>>
      %dma_wait3A_107 = tpu.memref_squeeze %dma_wait3A_106 : memref<1x8x100000xbf16, #tpu.memory_space<vmem>> -> memref<8x100000xbf16, #tpu.memory_space<vmem>>
      tpu.wait_dma2 semaphore(%dma_wait3A_100 : memref<!tpu.dma_semaphore, #tpu.memory_space<semaphore_mem>>) src(%dma_wait3A_107 : memref<8x100000xbf16, #tpu.memory_space<vmem>>) dst(%dma_wait3A_103 : memref<8x100000xbf16, #tpu.memory_space<any>>)
      %dma_wait3A_108 = arith.constant 0 : i32
      %dma_wait3A_109 = arith.constant 3 : i32
      %dma_wait3A_110 = arith.constant 0 : i32
      %dma_wait3A_111 = tpu.memref_slice %arg6[%dma_wait3A_109, %dma_wait3A_110] : memref<4x2x!tpu.dma_semaphore, #tpu.memory_space<semaphore_mem>> -> memref<1x1x!tpu.dma_semaphore, #tpu.memory_space<semaphore_mem>>
      %dma_wait3A_112 = tpu.memref_squeeze %dma_wait3A_111 : memref<1x1x!tpu.dma_semaphore, #tpu.memory_space<semaphore_mem>> -> memref<!tpu.dma_semaphore, #tpu.memory_space<semaphore_mem>>
      %dma_wait3A_113 = arith.constant 984 : i32
      %dma_wait3A_114 = arith.constant 0 : i32
      %dma_wait3A_115 = tpu.memref_slice %arg4[%dma_wait3A_113, %dma_wait3A_114] : memref<1024x100000xbf16, #tpu.memory_space<any>> -> memref<8x100000xbf16, #tpu.memory_space<any>>
      %dma_wait3A_116 = arith.constant 24 : i32
      %dma_wait3A_117 = arith.constant 0 : i32
      %dma_wait3A_118 = tpu.memref_slice %arg5[%dma_wait3A_108, %dma_wait3A_116, %dma_wait3A_117] : memref<2x32x100000xbf16, #tpu.memory_space<vmem>> -> memref<1x8x100000xbf16, #tpu.memory_space<vmem>>
      %dma_wait3A_119 = tpu.memref_squeeze %dma_wait3A_118 : memref<1x8x100000xbf16, #tpu.memory_space<vmem>> -> memref<8x100000xbf16, #tpu.memory_space<vmem>>
      tpu.wait_dma2 semaphore(%dma_wait3A_112 : memref<!tpu.dma_semaphore, #tpu.memory_space<semaphore_mem>>) src(%dma_wait3A_119 : memref<8x100000xbf16, #tpu.memory_space<vmem>>) dst(%dma_wait3A_115 : memref<8x100000xbf16, #tpu.memory_space<any>>)
      %dma_wait3A_120 = arith.constant 1 : i32
      %dma_wait3A_121 = arith.constant 0 : i32
      %dma_wait3A_122 = arith.constant 1 : i32
      %dma_wait3A_123 = tpu.memref_slice %arg6[%dma_wait3A_121, %dma_wait3A_122] : memref<4x2x!tpu.dma_semaphore, #tpu.memory_space<semaphore_mem>> -> memref<1x1x!tpu.dma_semaphore, #tpu.memory_space<semaphore_mem>>
      %dma_wait3A_124 = tpu.memref_squeeze %dma_wait3A_123 : memref<1x1x!tpu.dma_semaphore, #tpu.memory_space<semaphore_mem>> -> memref<!tpu.dma_semaphore, #tpu.memory_space<semaphore_mem>>
      %dma_wait3A_125 = arith.constant 992 : i32
      %dma_wait3A_126 = arith.constant 0 : i32
      %dma_wait3A_127 = tpu.memref_slice %arg4[%dma_wait3A_125, %dma_wait3A_126] : memref<1024x100000xbf16, #tpu.memory_space<any>> -> memref<8x100000xbf16, #tpu.memory_space<any>>
      %dma_wait3A_128 = arith.constant 0 : i32
      %dma_wait3A_129 = arith.constant 0 : i32
      %dma_wait3A_130 = tpu.memref_slice %arg5[%dma_wait3A_120, %dma_wait3A_128, %dma_wait3A_129] : memref<2x32x100000xbf16, #tpu.memory_space<vmem>> -> memref<1x8x100000xbf16, #tpu.memory_space<vmem>>
      %dma_wait3A_131 = tpu.memref_squeeze %dma_wait3A_130 : memref<1x8x100000xbf16, #tpu.memory_space<vmem>> -> memref<8x100000xbf16, #tpu.memory_space<vmem>>
      tpu.wait_dma2 semaphore(%dma_wait3A_124 : memref<!tpu.dma_semaphore, #tpu.memory_space<semaphore_mem>>) src(%dma_wait3A_131 : memref<8x100000xbf16, #tpu.memory_space<vmem>>) dst(%dma_wait3A_127 : memref<8x100000xbf16, #tpu.memory_space<any>>)
      %dma_wait3A_132 = arith.constant 1 : i32
      %dma_wait3A_133 = arith.constant 1 : i32
      %dma_wait3A_134 = arith.constant 1 : i32
      %dma_wait3A_135 = tpu.memref_slice %arg6[%dma_wait3A_133, %dma_wait3A_134] : memref<4x2x!tpu.dma_semaphore, #tpu.memory_space<semaphore_mem>> -> memref<1x1x!tpu.dma_semaphore, #tpu.memory_space<semaphore_mem>>
      %dma_wait3A_136 = tpu.memref_squeeze %dma_wait3A_135 : memref<1x1x!tpu.dma_semaphore, #tpu.memory_space<semaphore_mem>> -> memref<!tpu.dma_semaphore, #tpu.memory_space<semaphore_mem>>
      %dma_wait3A_137 = arith.constant 1000 : i32
      %dma_wait3A_138 = arith.constant 0 : i32
      %dma_wait3A_139 = tpu.memref_slice %arg4[%dma_wait3A_137, %dma_wait3A_138] : memref<1024x100000xbf16, #tpu.memory_space<any>> -> memref<8x100000xbf16, #tpu.memory_space<any>>
      %dma_wait3A_140 = arith.constant 8 : i32
      %dma_wait3A_141 = arith.constant 0 : i32
      %dma_wait3A_142 = tpu.memref_slice %arg5[%dma_wait3A_132, %dma_wait3A_140, %dma_wait3A_141] : memref<2x32x100000xbf16, #tpu.memory_space<vmem>> -> memref<1x8x100000xbf16, #tpu.memory_space<vmem>>
      %dma_wait3A_143 = tpu.memref_squeeze %dma_wait3A_142 : memref<1x8x100000xbf16, #tpu.memory_space<vmem>> -> memref<8x100000xbf16, #tpu.memory_space<vmem>>
      tpu.wait_dma2 semaphore(%dma_wait3A_136 : memref<!tpu.dma_semaphore, #tpu.memory_space<semaphore_mem>>) src(%dma_wait3A_143 : memref<8x100000xbf16, #tpu.memory_space<vmem>>) dst(%dma_wait3A_139 : memref<8x100000xbf16, #tpu.memory_space<any>>)
      %dma_wait3A_144 = arith.constant 1 : i32
      %dma_wait3A_145 = arith.constant 2 : i32
      %dma_wait3A_146 = arith.constant 1 : i32
      %dma_wait3A_147 = tpu.memref_slice %arg6[%dma_wait3A_145, %dma_wait3A_146] : memref<4x2x!tpu.dma_semaphore, #tpu.memory_space<semaphore_mem>> -> memref<1x1x!tpu.dma_semaphore, #tpu.memory_space<semaphore_mem>>
      %dma_wait3A_148 = tpu.memref_squeeze %dma_wait3A_147 : memref<1x1x!tpu.dma_semaphore, #tpu.memory_space<semaphore_mem>> -> memref<!tpu.dma_semaphore, #tpu.memory_space<semaphore_mem>>
      %dma_wait3A_149 = arith.constant 1008 : i32
      %dma_wait3A_150 = arith.constant 0 : i32
      %dma_wait3A_151 = tpu.memref_slice %arg4[%dma_wait3A_149, %dma_wait3A_150] : memref<1024x100000xbf16, #tpu.memory_space<any>> -> memref<8x100000xbf16, #tpu.memory_space<any>>
      %dma_wait3A_152 = arith.constant 16 : i32
      %dma_wait3A_153 = arith.constant 0 : i32
      %dma_wait3A_154 = tpu.memref_slice %arg5[%dma_wait3A_144, %dma_wait3A_152, %dma_wait3A_153] : memref<2x32x100000xbf16, #tpu.memory_space<vmem>> -> memref<1x8x100000xbf16, #tpu.memory_space<vmem>>
      %dma_wait3A_155 = tpu.memref_squeeze %dma_wait3A_154 : memref<1x8x100000xbf16, #tpu.memory_space<vmem>> -> memref<8x100000xbf16, #tpu.memory_space<vmem>>
      tpu.wait_dma2 semaphore(%dma_wait3A_148 : memref<!tpu.dma_semaphore, #tpu.memory_space<semaphore_mem>>) src(%dma_wait3A_155 : memref<8x100000xbf16, #tpu.memory_space<vmem>>) dst(%dma_wait3A_151 : memref<8x100000xbf16, #tpu.memory_space<any>>)
      %dma_wait3A_156 = arith.constant 1 : i32
      %dma_wait3A_157 = arith.constant 3 : i32
      %dma_wait3A_158 = arith.constant 1 : i32
      %dma_wait3A_159 = tpu.memref_slice %arg6[%dma_wait3A_157, %dma_wait3A_158] : memref<4x2x!tpu.dma_semaphore, #tpu.memory_space<semaphore_mem>> -> memref<1x1x!tpu.dma_semaphore, #tpu.memory_space<semaphore_mem>>
      %dma_wait3A_160 = tpu.memref_squeeze %dma_wait3A_159 : memref<1x1x!tpu.dma_semaphore, #tpu.memory_space<semaphore_mem>> -> memref<!tpu.dma_semaphore, #tpu.memory_space<semaphore_mem>>
      %dma_wait3A_161 = arith.constant 1016 : i32
      %dma_wait3A_162 = arith.constant 0 : i32
      %dma_wait3A_163 = tpu.memref_slice %arg4[%dma_wait3A_161, %dma_wait3A_162] : memref<1024x100000xbf16, #tpu.memory_space<any>> -> memref<8x100000xbf16, #tpu.memory_space<any>>
      %dma_wait3A_164 = arith.constant 24 : i32
      %dma_wait3A_165 = arith.constant 0 : i32
      %dma_wait3A_166 = tpu.memref_slice %arg5[%dma_wait3A_156, %dma_wait3A_164, %dma_wait3A_165] : memref<2x32x100000xbf16, #tpu.memory_space<vmem>> -> memref<1x8x100000xbf16, #tpu.memory_space<vmem>>
      %dma_wait3A_167 = tpu.memref_squeeze %dma_wait3A_166 : memref<1x8x100000xbf16, #tpu.memory_space<vmem>> -> memref<8x100000xbf16, #tpu.memory_space<vmem>>
      tpu.wait_dma2 semaphore(%dma_wait3A_160 : memref<!tpu.dma_semaphore, #tpu.memory_space<semaphore_mem>>) src(%dma_wait3A_167 : memref<8x100000xbf16, #tpu.memory_space<vmem>>) dst(%dma_wait3A_163 : memref<8x100000xbf16, #tpu.memory_space<any>>)
    } else {
    }
    return
  }
  func.func @transform_0(%arg0: i32) -> (i32, i32) {
    %c0_i32 = arith.constant 0 : i32
    %c0_i32_0 = arith.constant 0 : i32
    return %arg0, %c0_i32 : i32, i32
  }
  func.func @transform_1(%arg0: i32) -> (i32, i32) {
    %c0_i32 = arith.constant 0 : i32
    %c0_i32_0 = arith.constant 0 : i32
    %c0_i32_1 = arith.constant 0 : i32
    return %c0_i32, %c0_i32_0 : i32, i32
  }
  func.func @transform_2(%arg0: i32) -> (i32, i32) {
    %c0_i32 = arith.constant 0 : i32
    %c0_i32_0 = arith.constant 0 : i32
    %c0_i32_1 = arith.constant 0 : i32
    return %c0_i32, %c0_i32_0 : i32, i32
  }
}

</mosaic_0001>

<sc_bundles>
// kernel: kernel.4.cloned.1.call-start
scs
__scs_entry_jumppad:
0x0: {  	(pc) =	sbr.rel $0x88, $3  }
0x1: {  	(tag) =	ssettag $0x0;
	lr =	simm.s32 $0x1  }
0x2: {  	[smem:$0x3F9D] =	sst lr;
	_ =	strace $0xD0000000  }
0x3: {  	_ = 	snop  }
0x4: {  	_ = 	snop  }
0x5: {  	_ = 	snop  }
0x6: {  	_ = 	snop  }
0x7: {  	_ = 	snop  }
__scs_overlays_trampoline_lowered:
0x8: {  	[smem:$0x3FAC] =	sst s0  }
0x9: {  	[smem:$0x3FAD] =	sst s1  }
0xa: {  	[smem:$0x3FAE] =	sst s2  }
0xb: {  	[smem:$0x3FAF] =	sst s3  }
0xc: {  	[smem:$0x3FB0] =	sst s4  }
0xd: {  	[smem:$0x3FB1] =	sst s5  }
0xe: {  	[smem:$0x3FB2] =	sst s6  }
0xf: {  	[smem:$0x3FB3] =	sst s7  }
0x10: {  	[smem:$0x3FB4] =	sst s8  }
0x11: {  	[smem:$0x3FB5] =	sst s9;
	s0 =	simm.s32 @!p0 $0x0  }
0x12: {  	s1 =	sld [smem:$0x3F9B];
	s0 =	simm.s32 @p0 $0x1  }
0x13: {  	[smem:$0x3FB6] =	sst s0;
	s0 =	simm.s32 @!p1 $0x0  }
0x14: {  	s2 =	sld [smem:$0x3F9A];
	s0 =	simm.s32 @p1 $0x1  }
0x15: {  	[smem:$0x3FB7] =	sst s0;
	s0 =	simm.s32 @!p2 $0x0  }
0x16: {  	s3 =	sld [smem:$0x3FDB];
	s0 =	simm.s32 @p2 $0x1  }
0x17: {  	s4 =	simm.s32 $0x1BF5;
	[smem:$0x3FB9] =	sst s0  }
0x18: {  	s0 =	sld [smem:$0x3F9C];
	_ =	swait.ge [sflag:s4], $0x0  }
0x19: {  	s7 =	sld [smem:$0x3F9D]  }
0x1a: {  	s8 =	sadd.s32 $0xFFFFE003, lr  }
0x1b: {  	s9 =	sadd.s32 $0xFFFFFEF7, lr;
	s5 =	simm.s32 $0xFFFFFFFF;
	p2 =	slt.u32 s8, $0xFFFFF086  }
0x1c: {  	p1 =	slt.u32 s9, $0xF7A;
	s5 =	simm.s32 @!p2 $0x0  }
0x1d: {  	s5 =	simm.s32 @p1 $0x1;
	p0 =	seq.s32 s7, s2  }
0x1e: {  	s7 =	smul.u32 @!p0 $0xF7A, s2;
	p2 =	seq.s32 @!p0 s5, $0x0  }
0x1f: {  	s9 =	smul.u32 $0xF7A, s1;
	s8 =	simm.s32 @!p0 $0x1BF5;
	p2 =	por !p2, p0  }
0x20: {  	[sflag:s8] =	ssyncset.s32 @!p0 $0xFFFFF086;
	s6 =	sadd.s32 @!p0 s3, s7;
	s7 =	simm.s32 @!p0 $0x108  }
0x21: {  	s3 =	sadd.s32 s3, s9;
	s6 =	sadd.s32 @!p0 $0x88, s6;
	s7 =	simm.s32 @p2 $0x1082  }
0x22: {  	[simem:s7], [sflag:s8] =	dma.local @!p0 [hbm:s6], $0xF7A  }
0x23: {  	s9 =	sor.u32 $0xD0000000, s2;
	s6 =	simm.s32 $0x108;
	_ =	swait.ge @!p0 [sflag:s8], $0x0  }
0x24: {  	s3 =	sadd.s32 $0x88, s3;
	s6 =	simm.s32 @!p1 $0x1082;
	[sflag:s4] =	ssyncset.s32 $0xFFFFF086  }
0x25: {  	[simem:s6], [sflag:s4] =	dma.local [hbm:s3], $0xF7A  }
0x26: {  	[smem:$0x3F9D] =	sst s1;
	(tag) =	ssettag s2;
	_ =	strace s9  }
0x27: {  	s1 =	sld [smem:$0x3FAD]  }
0x28: {  	s2 =	sld [smem:$0x3FAE]  }
0x29: {  	s4 =	sld [smem:$0x3FB0]  }
0x2a: {  	p0 =	seq.s32 s5, $0x0;
	s5 =	sld [smem:$0x3FB1]  }
0x2b: {  	s6 =	sld [smem:$0x3FB2]  }
0x2c: {  	s7 =	sld [smem:$0x3FB3]  }
0x2d: {  	s3 =	simm.s32 $0x108;
	s8 =	sld [smem:$0x3FB4]  }
0x2e: {  	s3 =	simm.s32 @!p0 $0x1082;
	s9 =	sld [smem:$0x3FB5]  }
0x2f: {  	lr =	sadd.s32 s0, s3;
	s0 =	sld [smem:$0x3FAC]  }
0x30: {  	s3 =	sld [smem:$0x3FAF]  }
0x31: {  	[smem:$0x3FB8] =	sst s10  }
0x32: {  	s10 =	sld [smem:$0x3FB6];
	_ =	sdelay $0x3  }
0x33: {  	p0 =	seq.s32 s10, $0x1;
	s10 =	sld [smem:$0x3FB8];
	_ =	sdelay $0x3  }
0x34: {  	[smem:$0x3FB8] =	sst s10  }
0x35: {  	s10 =	sld [smem:$0x3FB7];
	_ =	sdelay $0x3  }
0x36: {  	p1 =	seq.s32 s10, $0x1;
	s10 =	sld [smem:$0x3FB8];
	_ =	sdelay $0x3  }
0x37: {  	[smem:$0x3FB8] =	sst s10  }
0x38: {  	s10 =	sld [smem:$0x3FB9]  }
0x39: {  	_ = 	snop;
	(pc) =	sbr.ind lr, $3  }
0x3a: {  	_ = 	snop  }
0x3b: {  	_ = 	snop  }
0x3c: {  	p2 =	seq.s32 s10, $0x1;
	s10 =	sld [smem:$0x3FB8]  }
0x3d: {  	_ =	shalt  }
0x3e: {  	_ =	shalt  }
0x3f: {  	_ =	shalt  }
0x40: {  	_ =	shalt  }
0x41: {  	_ =	shalt  }
0x42: {  	_ =	shalt  }
0x43: {  	_ =	shalt  }
0x44: {  	_ =	shalt  }
0x45: {  	_ =	shalt  }
0x46: {  	_ =	shalt  }
0x47: {  	_ =	shalt  }
0x48: {  	_ =	shalt  }
0x49: {  	_ =	shalt  }
0x4a: {  	_ =	shalt  }
0x4b: {  	_ =	shalt  }
0x4c: {  	_ =	shalt  }
0x4d: {  	_ =	shalt  }
0x4e: {  	_ =	shalt  }
0x4f: {  	_ =	shalt  }
0x50: {  	_ =	shalt  }
0x51: {  	_ =	shalt  }
0x52: {  	_ =	shalt  }
0x53: {  	_ =	shalt  }
0x54: {  	_ =	shalt  }
0x55: {  	_ =	shalt  }
0x56: {  	_ =	shalt  }
0x57: {  	_ =	shalt  }
0x58: {  	_ =	shalt  }
0x59: {  	_ =	shalt  }
0x5a: {  	_ =	shalt  }
0x5b: {  	_ =	shalt  }
0x5c: {  	_ =	shalt  }
0x5d: {  	_ =	shalt  }
0x5e: {  	_ =	shalt  }
0x5f: {  	_ =	shalt  }
0x60: {  	_ =	shalt  }
0x61: {  	_ =	shalt  }
0x62: {  	_ =	shalt  }
0x63: {  	_ =	shalt  }
0x64: {  	_ =	shalt  }
0x65: {  	_ =	shalt  }
0x66: {  	_ =	shalt  }
0x67: {  	_ =	shalt  }
0x68: {  	_ =	shalt  }
0x69: {  	_ =	shalt  }
0x6a: {  	_ =	shalt  }
0x6b: {  	_ =	shalt  }
0x6c: {  	_ =	shalt  }
0x6d: {  	_ =	shalt  }
0x6e: {  	_ =	shalt  }
0x6f: {  	_ =	shalt  }
0x70: {  	_ =	shalt  }
0x71: {  	_ =	shalt  }
0x72: {  	_ =	shalt  }
0x73: {  	_ =	shalt  }
0x74: {  	_ =	shalt  }
0x75: {  	_ =	shalt  }
0x76: {  	_ =	shalt  }
0x77: {  	_ =	shalt  }
0x78: {  	_ =	shalt  }
0x79: {  	_ =	shalt  }
0x7a: {  	_ =	shalt  }
0x7b: {  	_ =	shalt  }
0x7c: {  	_ =	shalt  }
0x7d: {  	_ =	shalt  }
0x7e: {  	_ =	shalt  }
0x7f: {  	_ =	shalt  }
0x80: {  	_ =	shalt  }
0x81: {  	_ =	shalt  }
0x82: {  	_ =	shalt  }
0x83: {  	_ =	shalt  }
0x84: {  	_ =	shalt  }
0x85: {  	_ =	shalt  }
0x86: {  	_ =	shalt  }
0x87: {  	_ =	shalt  }
.Lfunc_end0:
.L_simem_size_0:
called_computation_lowered:
.L_overlay_start_0:
0x88: {  	s2 =	sld [smem:$0x3FD9]  }
0x89: {  	s3 =	sld [smem:$0x3FFE];
	_ =	sdelay $0x1  }
0x8a: {  	s1 =	srdreg.scid  }
0x8b: {  	s0 =	sand.u32 $0x1, s1  }
0x8c: {  	s17 =	sshll.u32 s0, $0xA;
	s2 =	sadd.s32 s3, s2  }
0x8d: {  	s2 =	sadd.s32 s2, s17  }
0x8e: {  	[smem:$0x3FC4] =	sst s2  }
0x8f: {  	_ = 	snop  }
0x90: {  	s2 =	sld [smem:$0x3FD0];
	(tm) =	ssettm $0x1  }
0x91: {  	s18 =	sld [smem:$0x3FFB];
	_ =	sdelay $0x3  }
0x92: {  	_ =	strace s18  }
0x93: {  	s3 =	sld [smem:$0x3FFC];
	_ =	sdelay $0x3  }
0x94: {  	_ =	strace s3  }
0x95: {  	s3 =	sld [smem:$0x3FFD];
	_ =	sdelay $0x3  }
0x96: {  	_ =	strace s3  }
0x97: {  	_ =	strace $0x8FFFFFFF  }
0x98: {  	s19 =	sld [smem:$0x3FDB];
	_ =	sdelay $0x1  }
0x99: {  	s4 =	simm.s32 $_scs_section_size  }
0x9a: {  	s5 =	simm.s32 $_size__tile_overlayer_lowered;
	s6 =	simm.s32 $_tile_overlayer_lowered  }
0x9b: {  	s22 =	simm.s32 $0x1BFF;
	s21 =	sshll.u32 s6, $0x1;
	s3 =	sadd.s32 s4, s19  }
0x9c: {  	s7 =	simm.s32 $0x0;
	s20 =	sshll.u32 s5, $0x1;
	s5 =	sadd.s32 s21, s3  }
0x9d: {  	[timem:s7], [sflag:s22] =	dma.local [hbm:s5], s20  }
0x9e: {  	_ =	swait.ge [sflag:s22], s20  }
0x9f: {  	s4 =	ssub.s32 $0x0, s20;
	[sflag:s22] =	ssyncset.done $0x0  }
0xa0: {  	[sflag:s22] =	ssyncadd.s32 s4;
	_ =	sdelay $0x1  }
0xa1: {  	s23 =	simm.s32 $0x1B8B  }
0xa2: {  	_ =	swait.ge [sflag:s23], $0x1  }
0xa3: {  	[sflag:s23] =	ssyncset.done $0x0  }
0xa4: {  	s25 =	simm.s32 $0x1B8E;
	s24 =	sld [smem:$0x3FFE];
	[sflag:s23] =	ssyncadd.s32 $0xFFFFFFFF  }
0xa5: {  	s26 =	simm.s32 $execute0_lowered;
	[smem:$0x3FD2] =	sst s25  }
0xa6: {  	s5 =	sshll.u32 s26, $0x1;
	_ =	strace $0x80000046;
	[dreg:$0x1] =	wrdreg $0xFFFFFFFF  }
0xa7: {  	s28 =	simm.s32 $_size_execute0_lowered;
	s3 =	sadd.s32 s3, s5;
	[dreg:$0x0] =	wrdreg $0x0  }
0xa8: {  	s5 =	sshll.u32 s28, $0x1;
	[dreg:$0x2] =	wrdreg s3  }
0xa9: {  	[dreg:$0x3] =	wrdreg s5  }
0xaa: {  	[dreg:$0x4] =	wrdreg $0xC0  }
0xab: {  	_ =	task [dreg:s7], $0x5FFFF  }
0xac: {  	[dreg:$0x1] =	wrdreg $0xFFFFFFFF  }
0xad: {  	[dreg:$0x0] =	wrdreg $0x60  }
0xae: {  	[dreg:$0x2] =	wrdreg s24  }
0xaf: {  	[dreg:$0x3] =	wrdreg s2  }
0xb0: {  	[dreg:$0x4] =	wrdreg $0x9  }
0xb1: {  	_ =	task.clear_ibuf [dreg:s7], $0x5FFFF;
	_ =	strace $0x90000046  }
0xb2: {  	s29 =	simm.s32 $0x9;
	_ =	strace $0x80000048  }
0xb3: {  	_ =	swait.ge [sflag:s29], $0x1  }
0xb4: {  	[sflag:s29] =	ssyncadd.s32 $0xFFFFFFFF  }
0xb5: {  	_ =	strace $0x90000048  }
0xb6: {  	_ =	sfence  }
0xb7: {  	s30 =	sld [smem:$0x0];
	_ =	sdelay $0x2  }
0xb8: {  	s31 =	sshll.u32 s1, $0xD;
	s1 =	sshrl.u32 s1, $0x2  }
0xb9: {  	s3 =	sand.u32 $0x4000, s31;
	s1 =	sadd.s32 s1, s30  }
0xba: {  	s0 =	sor.u32 s3, s0;
	s1 =	sshll.u32 s1, $0x11  }
0xbb: {  	s0 =	sor.u32 s1, s0  }
0xbc: {  	s0 =	sadd.s32 $0x8F2B, s0  }
0xbd: {  	[sflag:s0] =	ssyncadd.remote.s32 $0x1  }
0xbe: {  	_ =	sfence.sel $0xFFFF  }
0xbf: {  	[dreg:$0x0] =	wrdreg $0xFFFFFFFF;
	(pc) =	sbr.abs _section_cstart, $3  }
0xc0: {  	[dreg:$0x1] =	wrdreg $0xFFFFFFFF  }
0xc1: {  	_ =	task.clear_ibuf [dreg:s7], $0x2FFFF;
	_ =	strace $0x9FFFFFFF  }
0xc2: {  	(tm) =	ssettm $0x7FFFFFFF  }
0xc3: {  	_ =	shalt  }
tec
execute0_lowered:
.L_overlay_start_1:
0x0: {  	(tag) =	ssettag $0x1  }
0x1: {  	s0 =	srdreg.scid;
	s1 =	rddreg [dreg:$0x0]  }
0x2: {  	s2 =	stileid.u32;
	s5 =	rddreg [dreg:$0x1]  }
0x3: {  	s8 =	simm.s32 $0x80;
	s15 =	simm.s32 $0x200;
	s16 =	simm.s32 $0x4680  }
0x4: {  	s17 =	simm.s32 $0x280;
	s18 =	simm.s32 $0x5680;
	s19 =	simm.s32 $0x300  }
0x5: {  	s20 =	simm.s32 $0x6680;
	s21 =	simm.s32 $0x380;
	s22 =	simm.s32 $0x7680  }
0x6: {  	s23 =	simm.s32 $0x400;
	s24 =	simm.s32 $0x8680;
	s25 =	simm.s32 $0x480  }
0x7: {  	s28 =	simm.s32 $0x500;
	s29 =	simm.s32 $0xA680;
	s30 =	simm.s32 $0x580  }
0x8: {  	s31 =	simm.s32 $0xB680;
	s9 =	simm.s32 $0x1;
	s10 =	simm.s32 $0xD680  }
0x9: {  	s11 =	simm.s32 $0x0;
	s0 =	sand.u32 $0x1, s0;
	s2 =	sshll.u32 s2, $0x1  }
0xa: {  	s4 =	sor.u32 s0, s2;
	s2 =	simm.s32 $0x0;
	s0 =	ssub.s32 $0x2, s0  }
0xb: {  	s3 =	smul.u32 $0xD0, s4;
	[smem:$0x7FF] =	sst s2;
	s26 =	sshrl.u32 s0, $0x1  }
0xc: {  	s7 =	sshll.u32 s4, $0x7;
	_ =	strace $0x80000047;
	s0 =	ssub.s32 s0, s26  }
0xd: {  	s5 =	sadd.s32 s5, s7;
	s7 =	simm.s32 $0x2;
	s26 =	simm.s32 $0x9680  }
0xe: {  	s6 =	sadd.s32 s3, s1;
	s3 =	sadd.s32 $0x3000, s1;
	s1 =	simm.s32 $0x600  }
0xf: {  	s4 =	sadd.s32 $0x1600, s6;
	s6 =	smax.u32 s0, $0x1;
	s0 =	simm.s32 $0xC680  }
.LBB2_1:
0x10: {  	[tilespmem:s2], [sflag:$0x2] =	stream.linear.gather [hbm4b:s4+s2], $0x680, $0x38;
	[tilespmem:$0xDA80] =	vst v63  }
0x11: {  	_ =	swait.ge [sflag:s7], $0x680  }
0x12: {  	[sflag:s7] =	ssyncset.done $0x0  }
0x13: {  	s12 =	simm.s32 $0x680;
	[sflag:s7] =	ssyncadd.s32 $0xFFFFF980  }
0x14: {  	[tilespmem:s12], [sflag:$0x1] =	stream.indirect.gather [hbm4b:s3+s8], $0x20, s2, s8, $0xb8;
	[tilespmem:$0xDA80] =	vst v63  }
0x15: {  	s13 =	simm.s32 $0x1680  }
0x16: {  	[tilespmem:s13], [sflag:$0x1] =	stream.indirect.gather [hbm4b:s3+s8], $0x20, s8, s8, $0xb8;
	[tilespmem:$0xDA80] =	vst v63  }
0x17: {  	s14 =	simm.s32 $0x100;
	s13 =	simm.s32 $0x2680  }
0x18: {  	[tilespmem:s13], [sflag:$0x1] =	stream.indirect.gather [hbm4b:s3+s8], $0x20, s14, s8, $0xb8;
	[tilespmem:$0xDA80] =	vst v63  }
0x19: {  	s13 =	simm.s32 $0x180;
	s14 =	simm.s32 $0x3680  }
0x1a: {  	[tilespmem:s14], [sflag:$0x1] =	stream.indirect.gather [hbm4b:s3+s8], $0x20, s13, s8, $0xb8;
	[tilespmem:$0xDA80] =	vst v63  }
0x1b: {  	_ = 	snop  }
0x1c: {  	[tilespmem:s16], [sflag:$0x1] =	stream.indirect.gather [hbm4b:s3+s8], $0x20, s15, s8, $0xb8;
	[tilespmem:$0xDA80] =	vst v63  }
0x1d: {  	_ = 	snop  }
0x1e: {  	[tilespmem:s18], [sflag:$0x1] =	stream.indirect.gather [hbm4b:s3+s8], $0x20, s17, s8, $0xb8;
	[tilespmem:$0xDA80] =	vst v63  }
0x1f: {  	_ = 	snop  }
0x20: {  	[tilespmem:s20], [sflag:$0x1] =	stream.indirect.gather [hbm4b:s3+s8], $0x20, s19, s8, $0xb8;
	[tilespmem:$0xDA80] =	vst v63  }
0x21: {  	_ = 	snop  }
0x22: {  	[tilespmem:s22], [sflag:$0x1] =	stream.indirect.gather [hbm4b:s3+s8], $0x20, s21, s8, $0xb8;
	[tilespmem:$0xDA80] =	vst v63  }
0x23: {  	_ = 	snop  }
0x24: {  	[tilespmem:s24], [sflag:$0x1] =	stream.indirect.gather [hbm4b:s3+s8], $0x20, s23, s8, $0xb8;
	[tilespmem:$0xDA80] =	vst v63  }
0x25: {  	_ = 	snop  }
0x26: {  	[tilespmem:s26], [sflag:$0x1] =	stream.indirect.gather [hbm4b:s3+s8], $0x20, s25, s8, $0xb8;
	[tilespmem:$0xDA80] =	vst v63  }
0x27: {  	_ = 	snop  }
0x28: {  	[tilespmem:s29], [sflag:$0x1] =	stream.indirect.gather [hbm4b:s3+s8], $0x20, s28, s8, $0xb8;
	[tilespmem:$0xDA80] =	vst v63  }
0x29: {  	_ = 	snop  }
0x2a: {  	[tilespmem:s31], [sflag:$0x1] =	stream.indirect.gather [hbm4b:s3+s8], $0x20, s30, s8, $0xb8;
	[tilespmem:$0xDA80] =	vst v63  }
0x2b: {  	_ = 	snop  }
0x2c: {  	[tilespmem:s0], [sflag:$0x1] =	stream.indirect.gather [hbm4b:s3+s8], $0x20, s1, s8, $0xb8;
	[tilespmem:$0xDA80] =	vst v63  }
0x2d: {  	_ =	swait.ge [sflag:s9], $0x1000  }
0x2e: {  	[sflag:s9] =	ssyncset.done $0x0  }
0x2f: {  	[sflag:s9] =	ssyncadd.s32 $0xFFFFF000  }
0x30: {  	_ =	swait.ge [sflag:s9], $0x1000  }
0x31: {  	[sflag:s9] =	ssyncset.done $0x0  }
0x32: {  	[sflag:s9] =	ssyncadd.s32 $0xFFFFF000  }
0x33: {  	_ =	swait.ge [sflag:s9], $0x1000  }
0x34: {  	[sflag:s9] =	ssyncset.done $0x0  }
0x35: {  	[sflag:s9] =	ssyncadd.s32 $0xFFFFF000  }
0x36: {  	_ =	swait.ge [sflag:s9], $0x1000  }
0x37: {  	[sflag:s9] =	ssyncset.done $0x0  }
0x38: {  	[sflag:s9] =	ssyncadd.s32 $0xFFFFF000  }
0x39: {  	_ =	swait.ge [sflag:s9], $0x1000  }
0x3a: {  	[sflag:s9] =	ssyncset.done $0x0  }
0x3b: {  	[sflag:s9] =	ssyncadd.s32 $0xFFFFF000  }
0x3c: {  	_ =	swait.ge [sflag:s9], $0x1000  }
0x3d: {  	[sflag:s9] =	ssyncset.done $0x0  }
0x3e: {  	[sflag:s9] =	ssyncadd.s32 $0xFFFFF000  }
0x3f: {  	_ =	swait.ge [sflag:s9], $0x1000  }
0x40: {  	[sflag:s9] =	ssyncset.done $0x0  }
0x41: {  	[sflag:s9] =	ssyncadd.s32 $0xFFFFF000  }
0x42: {  	_ =	swait.ge [sflag:s9], $0x1000  }
0x43: {  	[sflag:s9] =	ssyncset.done $0x0  }
0x44: {  	[sflag:s9] =	ssyncadd.s32 $0xFFFFF000  }
0x45: {  	_ =	swait.ge [sflag:s9], $0x1000  }
0x46: {  	[sflag:s9] =	ssyncset.done $0x0  }
0x47: {  	[sflag:s9] =	ssyncadd.s32 $0xFFFFF000  }
0x48: {  	_ =	swait.ge [sflag:s9], $0x1000  }
0x49: {  	[sflag:s9] =	ssyncset.done $0x0  }
0x4a: {  	[sflag:s9] =	ssyncadd.s32 $0xFFFFF000  }
0x4b: {  	_ =	swait.ge [sflag:s9], $0x1000  }
0x4c: {  	[sflag:s9] =	ssyncset.done $0x0  }
0x4d: {  	[sflag:s9] =	ssyncadd.s32 $0xFFFFF000  }
0x4e: {  	_ =	swait.ge [sflag:s9], $0x1000  }
0x4f: {  	[sflag:s9] =	ssyncset.done $0x0  }
0x50: {  	[sflag:s9] =	ssyncadd.s32 $0xFFFFF000  }
0x51: {  	_ =	swait.ge [sflag:s9], $0x1000  }
0x52: {  	[sflag:s9] =	ssyncset.done $0x0  }
0x53: {  	s12 =	simm.s32 $0x9A0;
	s13 =	simm.s32 $0x0;
	[sflag:s9] =	ssyncadd.s32 $0xFFFFF000  }
.LBB2_2:
0x54: {  	v0 =	vld [tilespmem:s12+$0xFFFFFCE0]  }
0x55: {  	v1 =	vld [tilespmem:s12+$0xFFFFFD00]  }
0x56: {  	v2 =	vld [tilespmem:s12+$0xFFFFFD20]  }
0x57: {  	v3 =	vld [tilespmem:s12+$0xFFFFFD40]  }
0x58: {  	v4 =	vld [tilespmem:s12+$0xFFFFFCF0]  }
0x59: {  	v5 =	vld [tilespmem:s12+$0xFFFFFD10]  }
0x5a: {  	v6 =	vld [tilespmem:s12+$0xFFFFFD30]  }
0x5b: {  	v7 =	vld [tilespmem:s12+$0xFFFFFD50]  }
0x5c: {  	v8 =	vld [tilespmem:s12+$0xFFFFFD60]  }
0x5d: {  	v9 =	vld [tilespmem:s12+$0xFFFFFD70]  }
0x5e: {  	v10 =	vld [tilespmem:s12+$0xFFFFFD80]  }
0x5f: {  	v11 =	vld [tilespmem:s12+$0xFFFFFD90]  }
0x60: {  	v12 =	vld [tilespmem:s12+$0xFFFFFDA0]  }
0x61: {  	v13 =	vld [tilespmem:s12+$0xFFFFFDB0]  }
0x62: {  	v14 =	vld [tilespmem:s12+$0xFFFFFDC0]  }
0x63: {  	v15 =	vld [tilespmem:s12+$0xFFFFFDD0]  }
0x64: {  	v16 =	vld [tilespmem:s12+$0xFFFFFDE0]  }
0x65: {  	v17 =	vld [tilespmem:s12+$0xFFFFFDF0]  }
0x66: {  	v18 =	vld [tilespmem:s12+$0xFFFFFE00]  }
0x67: {  	v19 =	vld [tilespmem:s12+$0xFFFFFE10]  }
0x68: {  	v20 =	vld [tilespmem:s12+$0xFFFFFE20]  }
0x69: {  	v21 =	vld [tilespmem:s12+$0xFFFFFE30]  }
0x6a: {  	v22 =	vld [tilespmem:s12+$0xFFFFFE40]  }
0x6b: {  	v23 =	vld [tilespmem:s12+$0xFFFFFE50]  }
0x6c: {  	v24 =	vld [tilespmem:s12+$0xFFFFFE60]  }
0x6d: {  	v25 =	vld [tilespmem:s12+$0xFFFFFE70]  }
0x6e: {  	v26 =	vld [tilespmem:s12+$0xFFFFFE80]  }
0x6f: {  	v27 =	vld [tilespmem:s12+$0xFFFFFE90]  }
0x70: {  	v28 =	vld [tilespmem:s12+$0xFFFFFEA0]  }
0x71: {  	v29 =	vld [tilespmem:s12+$0xFFFFFEB0]  }
0x72: {  	v30 =	vld [tilespmem:s12+$0xFFFFFEC0]  }
0x73: {  	v31 =	vld [tilespmem:s12+$0xFFFFFED0]  }
0x74: {  	v32 =	vld [tilespmem:s12+$0xFFFFFEE0]  }
0x75: {  	v33 =	vld [tilespmem:s12+$0xFFFFFEF0]  }
0x76: {  	v34 =	vld [tilespmem:s12+$0xFFFFFF00]  }
0x77: {  	v35 =	vld [tilespmem:s12+$0xFFFFFF10]  }
0x78: {  	v36 =	vld [tilespmem:s12+$0xFFFFFF20]  }
0x79: {  	v37 =	vld [tilespmem:s12+$0xFFFFFF30]  }
0x7a: {  	v38 =	vld [tilespmem:s12+$0xFFFFFF40]  }
0x7b: {  	v39 =	vld [tilespmem:s12+$0xFFFFFF50]  }
0x7c: {  	v40 =	vld [tilespmem:s12+$0xFFFFFF60]  }
0x7d: {  	v41 =	vld [tilespmem:s12+$0xFFFFFF70]  }
0x7e: {  	v42 =	vld [tilespmem:s12+$0xFFFFFF80]  }
0x7f: {  	v43 =	vld [tilespmem:s12+$0xFFFFFF90]  }
0x80: {  	v44 =	vld [tilespmem:s12+$0xFFFFFFA0]  }
0x81: {  	v45 =	vld [tilespmem:s12+$0xFFFFFFB0]  }
0x82: {  	v46 =	vld [tilespmem:s12+$0xFFFFFFC0]  }
0x83: {  	v47 =	vld [tilespmem:s12+$0xFFFFFFD0]  }
0x84: {  	v48 =	vld [tilespmem:s12+$0xFFFFFFE0]  }
0x85: {  	v49 =	vld [tilespmem:s12+$0xFFFFFFF0]  }
0x86: {  	v50 =	vld [tilespmem:s12+$0x0]  }
0x87: {  	v51 =	vld [tilespmem:s12+$0x10]  }
0x88: {  	v52 =	vld [tilespmem:s12+$0x20]  }
0x89: {  	v53 =	vld [tilespmem:s12+$0x30]  }
0x8a: {  	v54 =	vld [tilespmem:s12+$0x40]  }
0x8b: {  	v55 =	vld [tilespmem:s12+$0x50]  }
0x8c: {  	v56 =	vld [tilespmem:s12+$0x60]  }
0x8d: {  	v57 =	vld [tilespmem:s12+$0x70]  }
0x8e: {  	v58 =	vld [tilespmem:s12+$0x80]  }
0x8f: {  	v59 =	vld [tilespmem:s12+$0x150];
	v0 =	vadd.f32 v8, v0;
	v4 =	vadd.f32 v9, v4  }
0x90: {  	v60 =	vld [tilespmem:s12+$0x160];
	v1 =	vadd.f32 v10, v1;
	v5 =	vadd.f32 v11, v5  }
0x91: {  	v61 =	vld [tilespmem:s12+$0x170];
	v2 =	vadd.f32 v12, v2;
	v6 =	vadd.f32 v13, v6  }
0x92: {  	v62 =	vld [tilespmem:s12+$0x180];
	v3 =	vadd.f32 v14, v3;
	v7 =	vadd.f32 v15, v7  }
0x93: {  	v63 =	vld [tilespmem:s12+$0x190];
	v0 =	vadd.f32 v16, v0;
	v4 =	vadd.f32 v17, v4  }
0x94: {  	v8 =	vld [tilespmem:s12+$0x90];
	v1 =	vadd.f32 v18, v1;
	v5 =	vadd.f32 v19, v5  }
0x95: {  	v9 =	vld [tilespmem:s12+$0xA0];
	v2 =	vadd.f32 v20, v2;
	v6 =	vadd.f32 v21, v6  }
0x96: {  	v10 =	vld [tilespmem:s12+$0xB0];
	v3 =	vadd.f32 v22, v3;
	v7 =	vadd.f32 v23, v7  }
0x97: {  	v11 =	vld [tilespmem:s12+$0xC0];
	v0 =	vadd.f32 v24, v0;
	v4 =	vadd.f32 v25, v4  }
0x98: {  	v12 =	vld [tilespmem:s12+$0xD0];
	v1 =	vadd.f32 v26, v1;
	v5 =	vadd.f32 v27, v5  }
0x99: {  	v13 =	vld [tilespmem:s12+$0xE0];
	v2 =	vadd.f32 v28, v2;
	v6 =	vadd.f32 v29, v6  }
0x9a: {  	v14 =	vld [tilespmem:s12+$0xF0];
	v3 =	vadd.f32 v30, v3;
	v7 =	vadd.f32 v31, v7  }
0x9b: {  	v15 =	vld [tilespmem:s12+$0x100];
	v0 =	vadd.f32 v32, v0;
	v4 =	vadd.f32 v33, v4  }
0x9c: {  	v16 =	vld [tilespmem:s12+$0x110];
	v1 =	vadd.f32 v34, v1;
	v5 =	vadd.f32 v35, v5  }
0x9d: {  	v17 =	vld [tilespmem:s12+$0x120];
	v2 =	vadd.f32 v36, v2;
	v6 =	vadd.f32 v37, v6  }
0x9e: {  	v18 =	vld [tilespmem:s12+$0x130];
	v3 =	vadd.f32 v38, v3;
	v7 =	vadd.f32 v39, v7  }
0x9f: {  	v19 =	vld [tilespmem:s12+$0x140];
	v0 =	vadd.f32 v40, v0;
	v4 =	vadd.f32 v41, v4  }
0xa0: {  	v36 =	vld [tilespmem:s12+$0x1A0];
	v1 =	vadd.f32 v42, v1;
	v5 =	vadd.f32 v43, v5  }
0xa1: {  	v37 =	vld [tilespmem:s12+$0x1B0];
	v2 =	vadd.f32 v44, v2;
	v6 =	vadd.f32 v45, v6  }
0xa2: {  	v38 =	vld [tilespmem:s12+$0x1C0];
	v3 =	vadd.f32 v46, v3;
	v7 =	vadd.f32 v47, v7  }
0xa3: {  	v39 =	vld [tilespmem:s12+$0x1D0];
	v0 =	vadd.f32 v48, v0;
	v4 =	vadd.f32 v49, v4  }
0xa4: {  	v40 =	vld [tilespmem:s12+$0x1E0];
	v1 =	vadd.f32 v50, v1;
	v5 =	vadd.f32 v51, v5  }
0xa5: {  	v41 =	vld [tilespmem:s12+$0x1F0];
	v2 =	vadd.f32 v52, v2;
	v6 =	vadd.f32 v53, v6  }
0xa6: {  	v42 =	vld [tilespmem:s12+$0x200];
	v3 =	vadd.f32 v54, v3;
	v7 =	vadd.f32 v55, v7  }
0xa7: {  	v43 =	vld [tilespmem:s12+$0x210];
	v0 =	vadd.f32 v56, v0;
	v4 =	vadd.f32 v57, v4  }
0xa8: {  	v44 =	vld [tilespmem:s12+$0x220];
	v1 =	vadd.f32 v58, v1;
	v5 =	vadd.f32 v8, v5  }
0xa9: {  	v45 =	vld [tilespmem:s12+$0x230];
	v2 =	vadd.f32 v9, v2;
	v6 =	vadd.f32 v10, v6  }
0xaa: {  	v46 =	vld [tilespmem:s12+$0x240];
	v3 =	vadd.f32 v11, v3;
	v7 =	vadd.f32 v12, v7  }
0xab: {  	v47 =	vld [tilespmem:s12+$0x250];
	v0 =	vadd.f32 v13, v0;
	v4 =	vadd.f32 v14, v4  }
0xac: {  	v48 =	vld [tilespmem:s12+$0x260];
	v1 =	vadd.f32 v15, v1;
	v5 =	vadd.f32 v16, v5  }
0xad: {  	v49 =	vld [tilespmem:s12+$0x270];
	v2 =	vadd.f32 v17, v2;
	v6 =	vadd.f32 v18, v6  }
0xae: {  	v50 =	vld [tilespmem:s12+$0x280];
	v3 =	vadd.f32 v19, v3;
	v7 =	vadd.f32 v59, v7  }
0xaf: {  	v51 =	vld [tilespmem:s12+$0x290];
	v0 =	vadd.f32 v60, v0;
	v4 =	vadd.f32 v61, v4  }
0xb0: {  	v52 =	vld [tilespmem:s12+$0x2A0];
	v1 =	vadd.f32 v62, v1;
	v5 =	vadd.f32 v63, v5  }
0xb1: {  	v53 =	vld [tilespmem:s12+$0x2B0];
	v2 =	vadd.f32 v36, v2;
	v6 =	vadd.f32 v37, v6  }
0xb2: {  	v54 =	vld [tilespmem:s12+$0x2C0];
	v3 =	vadd.f32 v38, v3;
	v7 =	vadd.f32 v39, v7  }
0xb3: {  	v55 =	vld [tilespmem:s12+$0x2D0];
	v0 =	vadd.f32 v40, v0;
	v4 =	vadd.f32 v41, v4  }
0xb4: {  	v56 =	vld [tilespmem:s12+$0x2E0];
	v1 =	vadd.f32 v42, v1;
	v5 =	vadd.f32 v43, v5  }
0xb5: {  	v57 =	vld [tilespmem:s12+$0x2F0];
	v2 =	vadd.f32 v44, v2;
	v6 =	vadd.f32 v45, v6  }
0xb6: {  	v58 =	vld [tilespmem:s12+$0x300];
	v3 =	vadd.f32 v46, v3;
	v7 =	vadd.f32 v47, v7  }
0xb7: {  	v59 =	vld [tilespmem:s12+$0x310];
	v0 =	vadd.f32 v48, v0;
	v4 =	vadd.f32 v49, v4  }
0xb8: {  	v1 =	vadd.f32 v50, v1;
	v5 =	vadd.f32 v51, v5  }
0xb9: {  	v2 =	vadd.f32 v52, v2;
	v6 =	vadd.f32 v53, v6  }
0xba: {  	v3 =	vadd.f32 v54, v3;
	v7 =	vadd.f32 v55, v7  }
0xbb: {  	v0 =	vadd.f32 v56, v0;
	v1 =	vadd.f32 v58, v1  }
0xbc: {  	v4 =	vadd.f32 v57, v4;
	v5 =	vadd.f32 v59, v5  }
0xbd: {  	v60 =	vadd.f32 v3, v2;
	v0 =	vadd.f32 v1, v0  }
0xbe: {  	v62 =	vadd.f32 v7, v6;
	v61 =	vadd.f32 v5, v4  }
0xbf: {  	p0 =	sne.s32 s13, $0xF80;
	v0 =	vadd.f32 v0, v60  }
.Ltmp0:
0xc0: {  	v63 =	vadd.f32 v61, v62;
	(pc) =	sbr.rel @p0 .LBB2_2-.Ltmp0, $4  }
0xc1: {  	v0 =	vmul.f32 $1.999999960e-02, v0  }
0xc2: {  	s14 =	sshra.s32 s13, $0x2;
	v1 =	vmul.f32 $1.999999960e-02, v63  }
0xc3: {  	[tilespmem:s14+$0xD680] =	vst v0  }
0xc4: {  	s13 =	sadd.s32 $0x80, s13;
	s12 =	sadd.s32 $0x640, s12;
	[tilespmem:s14+$0xD690] =	vst v1  }
0xc5: {  	s11 =	sadd.s32 $0x1, s11  }
0xc6: {  	p0 =	sne.s32 s11, s6  }
.Ltmp1:
0xc7: {  	_ = 	snop;
	(pc) =	sbr.rel @p0 .LBB2_1-.Ltmp1, $4  }
0xc8: {  	[hbm4b:s5+s2] =	stream.linear.scatter [tilespmem:s10], [sflag:$0x2], $0x400, $0x38;
	[tilespmem:$0xDA80] =	vst v63  }
0xc9: {  	_ =	swait.ge [sflag:s7], $0x400  }
0xca: {  	[sflag:s7] =	ssyncset.done $0x0  }
0xcb: {  	[sflag:s7] =	ssyncadd.s32 $0xFFFFFC00  }
0xcc: {  	_ =	sfence.sel $0x180000  }
0xcd: {  	[bflag:$0x0] =	sbarrier.arrive $0xFFFF  }
0xce: {  	_ =	strace $0x90000047  }
0xcf: {  	s0 =	stileid.u32;
	[bflag:$0x2] =	sbarrier.arrive $0xFFFF  }
0xd0: {  	p0 =	sne.s32 s0, $0x0;
	s0 =	rddreg [dreg:$0x2]  }
0xd1: {  	s0 =	sadd.s32 @!p0 $0x100000, s0  }
0xd2: {  	[sflag:s0] =	ssyncadd.tile.s32 @!p0 $0x1;
	_ =	shalt  }
.Lfunc_end2:
_tile_overlayer_lowered:
.L_overlay_start_2:
0xd3: {  	(tag) =	ssettag $0x2  }
0xd4: {  	s0 =	rddreg [dreg:$0x0];
	s2 =	stileid.u32  }
0xd5: {  	s1 =	rddreg [dreg:$0x1];
	p0 =	sne.s32 s2, $0x0  }
0xd6: {  	s3 =	rddreg [dreg:$0x2];
	[bflag:$0x3] =	sbarrier.arrive $0xFFFF;
	s2 =	simm.s32 @!p0 $0x1C02  }
0xd7: {  	[timem:s3], [sflag:s2] =	dma.local @!p0 [hbm:s0], s1  }
0xd8: {  	s0 =	simm.s32 @!p0 $0x2  }
0xd9: {  	_ =	swait.ge @!p0 [sflag:s0], s1  }
0xda: {  	s1 =	ssub.s32 @!p0 $0x0, s1;
	[sflag:s0] =	ssyncset.done @!p0 $0x0  }
0xdb: {  	[sflag:s0] =	ssyncadd.s32 @!p0 s1  }
0xdc: {  	[bflag:$0x3] =	sbarrier.arrive $0xFFFF  }
0xdd: {  	_ =	shalt  }

</sc_bundles>
